<compile_context>
chip_gen: v7x
topology: tpu7x:2x2x1
jax: 0.10.2.dev20260603
libtpu: 0.0.44.dev20260713+nightly
codegen_flags: <defaults>
</compile_context>

<pallas_src>
import functools

import jax
import jax.numpy as jnp
from jax import lax
from jax.experimental import pallas as pl
from jax.experimental.pallas import tpu as pltpu
from jax.experimental.pallas import tpu_sc as plsc

N = 10000
E = 320000
D_IN = 128
EMB = 128
H1 = 32
H2 = 64
BN_EPS = 1e-5

NC = 2
NS = 16
NW = NC * NS
CHUNK = 128
CHW = (E // CHUNK + NW - 1) // NW
E_PAD = NW * CHW * CHUNK
N_PAD = 10112
RPS = N_PAD // NS
KB = 1


@functools.lru_cache(maxsize=None)
def _make_seg_sum(F):
    mesh = plsc.VectorSubcoreMesh(core_axis_name="c", subcore_axis_name="s")

    @functools.partial(
        pl.kernel,
        mesh=mesh,
        compiler_params=pltpu.CompilerParams(use_tc_tiling_on_sc=False),
        out_type=jax.ShapeDtypeStruct((NC, N_PAD, F), jnp.float32),
        scratch_types=[
            pltpu.VMEM((CHW, CHUNK), jnp.int32),
            pltpu.VMEM((CHW, CHUNK), jnp.int32),
            pltpu.VMEM((CHUNK, F), jnp.float32),
            pltpu.VMEM_SHARED((N_PAD, F), jnp.float32),
            pltpu.SemaphoreType.DMA,
        ],
    )
    def seg_sum(y_hbm, src_hbm, dst_hbm, zeros_hbm, out_hbm,
                src_v, dst_v, rows_v, acc, sem):
        c = lax.axis_index("c")
        s = lax.axis_index("s")
        w = c * NS + s

        pltpu.sync_copy(zeros_hbm, acc.at[pl.ds(s * RPS, RPS)])
        pltpu.sync_copy(src_hbm.at[w], src_v)
        pltpu.sync_copy(dst_hbm.at[w], dst_v)
        plsc.subcore_barrier()

        def body(j, carry):
            pltpu.async_copy(y_hbm.at[src_v.at[j]], rows_v, sem).wait()
            pltpu.sync_copy(rows_v, acc.at[dst_v.at[j]], add=True)
            return carry

        lax.fori_loop(0, CHW, body, 0)

        plsc.subcore_barrier()
        pltpu.sync_copy(acc.at[pl.ds(s * RPS, RPS)],
                        out_hbm.at[c, pl.ds(s * RPS, RPS)])

    return seg_sum


def _qdot(a, b):
    return jnp.dot(a.astype(jnp.bfloat16), b.astype(jnp.bfloat16),
                   preferred_element_type=jnp.float32)


def _tc_pre_body(x_ref, w_ref, y_ref):
    y_ref[...] = _qdot(x_ref[...], w_ref[...])


def _tc_mid_body(y_ref, a_ref, ba_ref, g_ref, be_ref, wb_ref, bb_ref, wn_ref,
                 u_ref):
    z = y_ref[...] + a_ref[0, :N] + a_ref[1, :N] + ba_ref[...]
    mu = jnp.mean(z, axis=0, keepdims=True)
    zc = z - mu
    var = jnp.mean(zc * zc, axis=0, keepdims=True)
    h = zc * lax.rsqrt(var + BN_EPS) * g_ref[...] + be_ref[...]
    h = jnp.maximum(h, 0.0)
    h = _qdot(h, wb_ref[...]) + bb_ref[...]
    h = jnp.maximum(h, 0.0)
    u_ref[...] = _qdot(h, wn_ref[...])


def _tc_fin_body(u_ref, a_ref, ba_ref, g_ref, be_ref, wb_ref, bb_ref,
                 h_ref, p_ref):
    z = u_ref[...] + a_ref[0, :N] + a_ref[1, :N] + ba_ref[...]
    mu = jnp.mean(z, axis=0, keepdims=True)
    zc = z - mu
    var = jnp.mean(zc * zc, axis=0, keepdims=True)
    h = zc * lax.rsqrt(var + BN_EPS) * g_ref[...] + be_ref[...]
    h = jnp.maximum(h, 0.0)
    h = _qdot(h, wb_ref[...]) + bb_ref[...]
    h = jnp.maximum(h, 0.0)
    h_ref[...] = h
    p_ref[...] = jnp.mean(h, axis=0, keepdims=True)


def kernel(x, edge_index, W1a, b1a, g1, be1, W1b, b1b,
           W2a, b2a, g2, be2, W2b, b2b):
    pad = E_PAD - E
    src_p = jnp.concatenate(
        [edge_index[0], jnp.zeros((pad,), jnp.int32)]
    ).reshape(NW, CHW, CHUNK)
    dst_p = jnp.concatenate(
        [edge_index[1], jnp.full((pad,), N_PAD - 1, jnp.int32)]
    ).reshape(NW, CHW, CHUNK)
    z32 = jnp.zeros((RPS, H1), jnp.float32)
    z64 = jnp.zeros((RPS, H2), jnp.float32)

    y1 = pl.pallas_call(
        _tc_pre_body,
        out_shape=jax.ShapeDtypeStruct((N, H1), jnp.float32),
    )(x, W1a)

    a1 = _make_seg_sum(H1)(y1, src_p, dst_p, z32)

    u = pl.pallas_call(
        _tc_mid_body,
        out_shape=jax.ShapeDtypeStruct((N, H2), jnp.float32),
    )(y1, a1, b1a.reshape(1, H1), g1.reshape(1, H1), be1.reshape(1, H1),
      W1b, b1b.reshape(1, H2), W2a)

    a2 = _make_seg_sum(H2)(u, src_p, dst_p, z64)

    h, pooled = pl.pallas_call(
        _tc_fin_body,
        out_shape=[
            jax.ShapeDtypeStruct((N, EMB), jnp.float32),
            jax.ShapeDtypeStruct((1, EMB), jnp.float32),
        ],
    )(u, a2, b2a.reshape(1, H2), g2.reshape(1, H2), be2.reshape(1, H2),
      W2b, b2b.reshape(1, EMB))

    return (h, pooled)

# --- scband reference (transcript-rebuilt; emitter-appended) ---
"""Pipeline reference for scband-gin-3083786519230 (READ-ONLY COPY).

The authoritative reference and input builder live on the scoring server;
editing this copy changes nothing except your own understanding.
"""

import jax, jax.numpy as jnp
import numpy as np

N = 10000
E = 320000
D_IN = 128
EMB = 128
H1 = 32
H2 = 64
BN_EPS = 1e-5


def setup_inputs(seed: int = 0) -> dict:
    key = jax.random.key(seed)
    ks = jax.random.split(key, 16)
    x = jax.random.normal(ks[0], (N, D_IN), dtype=jnp.float32)
    edge_index = jax.random.randint(ks[1], (2, E), 0, N, dtype=jnp.int32)
    s = 0.05
    # MLP1: [D_IN, 32, 64] -> Linear(D_IN,32) + BN(32) + ReLU + Linear(32,64)
    W1a = jax.random.normal(ks[2], (D_IN, H1), dtype=jnp.float32) * s
    b1a = jnp.zeros((H1,), jnp.float32)
    g1 = jnp.ones((H1,), jnp.float32)
    be1 = jnp.zeros((H1,), jnp.float32)
    W1b = jax.random.normal(ks[3], (H1, H2), dtype=jnp.float32) * s
    b1b = jnp.zeros((H2,), jnp.float32)
    # MLP2: [64, 64, EMB] -> Linear(64,64) + BN(64) + ReLU + Linear(64,EMB)
    W2a = jax.random.normal(ks[4], (H2, H2), dtype=jnp.float32) * s
    b2a = jnp.zeros((H2,), jnp.float32)
    g2 = jnp.ones((H2,), jnp.float32)
    be2 = jnp.zeros((H2,), jnp.float32)
    W2b = jax.random.normal(ks[5], (H2, EMB), dtype=jnp.float32) * s
    b2b = jnp.zeros((EMB,), jnp.float32)
    return {"x": x, "edge_index": edge_index,
            "W1a": W1a, "b1a": b1a, "g1": g1, "be1": be1, "W1b": W1b, "b1b": b1b,
            "W2a": W2a, "b2a": b2a, "g2": g2, "be2": be2, "W2b": W2b, "b2b": b2b}


def _mlp(h, Wa, ba, g, be, Wb, bb):
    h = h @ Wa + ba
    mu = jnp.mean(h, axis=0)
    var = jnp.var(h, axis=0)
    h = (h - mu) / jnp.sqrt(var + BN_EPS) * g + be
    h = jax.nn.relu(h)
    return h @ Wb + bb


def _gin_conv(x, edge_index, Wa, ba, g, be, Wb, bb):
    src = edge_index[0]
    dst = edge_index[1]
    # sum aggregation of neighbor messages (scatter-add), eps = 0
    agg = jnp.zeros_like(x).at[dst].add(x[src])
    h = (1.0 + 0.0) * x + agg
    return _mlp(h, Wa, ba, g, be, Wb, bb)


def reference(x, edge_index, W1a, b1a, g1, be1, W1b, b1b, W2a, b2a, g2, be2, W2b, b2b):
    h = _gin_conv(x, edge_index, W1a, b1a, g1, be1, W1b, b1b)
    h = jax.nn.relu(h)
    h = _gin_conv(h, edge_index, W2a, b2a, g2, be2, W2b, b2b)
    h = jax.nn.relu(h)
    # batch is all zeros -> global_mean_pool reduces over all nodes into 1 graph
    pooled = jnp.mean(h, axis=0, keepdims=True)
    return (h, pooled)

if __name__ == "__main__":
    import jax
    _d = setup_inputs()
    print(jax.jit(kernel)(*tuple(_d.values())))

</pallas_src>

<mosaic_0001>
#map = affine_map<(d0, d1) -> (0, 0)>
#map1 = affine_map<(d0, d1) -> (0, 0, 0)>
module attributes {stable_mosaic.version = 14 : i64} {
  func.func @seg_sum(%arg0: i32, %arg1: i32, %arg2: memref<10000x32xf32, #tpu.memory_space<hbm>>, %arg3: memref<32x79x128xi32, #tpu.memory_space<hbm>>, %arg4: memref<32x79x128xi32, #tpu.memory_space<hbm>>, %arg5: memref<632x32xf32, #tpu.memory_space<hbm>>, %arg6: memref<2x10112x32xf32, #tpu.memory_space<hbm>>, %arg7: memref<79x128xi32, #tpu.memory_space<vmem>>, %arg8: memref<79x128xi32, #tpu.memory_space<vmem>>, %arg9: memref<128x32xf32, #tpu.memory_space<vmem>>, %arg10: memref<10112x32xf32, #tpu.memory_space<vmem_shared>>, %arg11: memref<!tpu.dma_semaphore, #tpu.memory_space<semaphore_mem>>) attributes {dimension_semantics = [#tpu.dimension_semantics<core_parallel>, #tpu.dimension_semantics<subcore_parallel>], iteration_bounds = array<i64: 2, 16>, scalar_prefetch = 0 : i64, scratch_operands = 5 : i64, tpu.core_type = #tpu.core_type<sc_vector_subcore>, window_params = [{transform_indices = #map}, {transform_indices = #map1}, {transform_indices = #map1}, {transform_indices = #map}, {transform_indices = #map1}]} {
    %mul3A = arith.constant 16 : i32
    %mul3A_0 = arith.muli %arg0, %mul3A : i32
    %add3A = arith.addi %mul3A_0, %arg1 : i32
    %mul3A_1 = arith.constant 632 : i32
    %mul3A_2 = arith.muli %arg1, %mul3A_1 : i32
    "tpu.region"() ({
      %run_scoped3A = tpu.sem_alloc : memref<!tpu.dma_semaphore, #tpu.memory_space<semaphore_mem>>
      %dma_start3A = arith.constant 0 : i32
      %dma_start3A_13 = tpu.memref_slice %arg10[%mul3A_2, %dma_start3A] : memref<10112x32xf32, #tpu.memory_space<vmem_shared>> -> memref<632x32xf32, #tpu.memory_space<vmem_shared>>
      tpu.enqueue_dma source(%arg5 : memref<632x32xf32, #tpu.memory_space<hbm>>) target(%dma_start3A_13 : memref<632x32xf32, #tpu.memory_space<vmem_shared>>) target_semaphore(%run_scoped3A : memref<!tpu.dma_semaphore, #tpu.memory_space<semaphore_mem>>)
      %dma_wait3A = arith.constant 0 : i32
      %dma_wait3A_14 = tpu.memref_slice %arg10[%mul3A_2, %dma_wait3A] : memref<10112x32xf32, #tpu.memory_space<vmem_shared>> -> memref<632x32xf32, #tpu.memory_space<vmem_shared>>
      tpu.wait_dma2 semaphore(%run_scoped3A : memref<!tpu.dma_semaphore, #tpu.memory_space<semaphore_mem>>) src(%arg5 : memref<632x32xf32, #tpu.memory_space<hbm>>) dst(%dma_wait3A_14 : memref<632x32xf32, #tpu.memory_space<vmem_shared>>)
      tpu.yield
    }) : () -> ()
    "tpu.region"() ({
      %run_scoped3A = tpu.sem_alloc : memref<!tpu.dma_semaphore, #tpu.memory_space<semaphore_mem>>
      %dma_start3A = arith.constant 0 : i32
      %dma_start3A_13 = arith.constant 0 : i32
      %dma_start3A_14 = tpu.memref_slice %arg3[%add3A, %dma_start3A, %dma_start3A_13] : memref<32x79x128xi32, #tpu.memory_space<hbm>> -> memref<1x79x128xi32, #tpu.memory_space<hbm>>
      %dma_start3A_15 = tpu.memref_squeeze %dma_start3A_14 : memref<1x79x128xi32, #tpu.memory_space<hbm>> -> memref<79x128xi32, #tpu.memory_space<hbm>>
      %dma_start3A_16 = arith.constant 0 : i32
      %dma_start3A_17 = arith.constant 0 : i32
      %dma_start3A_18 = tpu.memref_slice %arg3[%add3A, %dma_start3A_16, %dma_start3A_17] : memref<32x79x128xi32, #tpu.memory_space<hbm>> -> memref<1x79x128xi32, #tpu.memory_space<hbm>>
      %dma_start3A_19 = tpu.memref_squeeze %dma_start3A_18 : memref<1x79x128xi32, #tpu.memory_space<hbm>> -> memref<79x128xi32, #tpu.memory_space<hbm>>
      tpu.enqueue_dma source(%dma_start3A_19 : memref<79x128xi32, #tpu.memory_space<hbm>>) target(%arg7 : memref<79x128xi32, #tpu.memory_space<vmem>>) target_semaphore(%run_scoped3A : memref<!tpu.dma_semaphore, #tpu.memory_space<semaphore_mem>>)
      %dma_wait3A = arith.constant 0 : i32
      %dma_wait3A_20 = arith.constant 0 : i32
      %dma_wait3A_21 = tpu.memref_slice %arg3[%add3A, %dma_wait3A, %dma_wait3A_20] : memref<32x79x128xi32, #tpu.memory_space<hbm>> -> memref<1x79x128xi32, #tpu.memory_space<hbm>>
      %dma_wait3A_22 = tpu.memref_squeeze %dma_wait3A_21 : memref<1x79x128xi32, #tpu.memory_space<hbm>> -> memref<79x128xi32, #tpu.memory_space<hbm>>
      %dma_wait3A_23 = arith.constant 0 : i32
      %dma_wait3A_24 = arith.constant 0 : i32
      %dma_wait3A_25 = tpu.memref_slice %arg3[%add3A, %dma_wait3A_23, %dma_wait3A_24] : memref<32x79x128xi32, #tpu.memory_space<hbm>> -> memref<1x79x128xi32, #tpu.memory_space<hbm>>
      %dma_wait3A_26 = tpu.memref_squeeze %dma_wait3A_25 : memref<1x79x128xi32, #tpu.memory_space<hbm>> -> memref<79x128xi32, #tpu.memory_space<hbm>>
      tpu.wait_dma2 semaphore(%run_scoped3A : memref<!tpu.dma_semaphore, #tpu.memory_space<semaphore_mem>>) src(%dma_wait3A_26 : memref<79x128xi32, #tpu.memory_space<hbm>>) dst(%arg7 : memref<79x128xi32, #tpu.memory_space<vmem>>)
      tpu.yield
    }) : () -> ()
    "tpu.region"() ({
      %run_scoped3A = tpu.sem_alloc : memref<!tpu.dma_semaphore, #tpu.memory_space<semaphore_mem>>
      %dma_start3A = arith.constant 0 : i32
      %dma_start3A_13 = arith.constant 0 : i32
      %dma_start3A_14 = tpu.memref_slice %arg4[%add3A, %dma_start3A, %dma_start3A_13] : memref<32x79x128xi32, #tpu.memory_space<hbm>> -> memref<1x79x128xi32, #tpu.memory_space<hbm>>
      %dma_start3A_15 = tpu.memref_squeeze %dma_start3A_14 : memref<1x79x128xi32, #tpu.memory_space<hbm>> -> memref<79x128xi32, #tpu.memory_space<hbm>>
      %dma_start3A_16 = arith.constant 0 : i32
      %dma_start3A_17 = arith.constant 0 : i32
      %dma_start3A_18 = tpu.memref_slice %arg4[%add3A, %dma_start3A_16, %dma_start3A_17] : memref<32x79x128xi32, #tpu.memory_space<hbm>> -> memref<1x79x128xi32, #tpu.memory_space<hbm>>
      %dma_start3A_19 = tpu.memref_squeeze %dma_start3A_18 : memref<1x79x128xi32, #tpu.memory_space<hbm>> -> memref<79x128xi32, #tpu.memory_space<hbm>>
      tpu.enqueue_dma source(%dma_start3A_19 : memref<79x128xi32, #tpu.memory_space<hbm>>) target(%arg8 : memref<79x128xi32, #tpu.memory_space<vmem>>) target_semaphore(%run_scoped3A : memref<!tpu.dma_semaphore, #tpu.memory_space<semaphore_mem>>)
      %dma_wait3A = arith.constant 0 : i32
      %dma_wait3A_20 = arith.constant 0 : i32
      %dma_wait3A_21 = tpu.memref_slice %arg4[%add3A, %dma_wait3A, %dma_wait3A_20] : memref<32x79x128xi32, #tpu.memory_space<hbm>> -> memref<1x79x128xi32, #tpu.memory_space<hbm>>
      %dma_wait3A_22 = tpu.memref_squeeze %dma_wait3A_21 : memref<1x79x128xi32, #tpu.memory_space<hbm>> -> memref<79x128xi32, #tpu.memory_space<hbm>>
      %dma_wait3A_23 = arith.constant 0 : i32
      %dma_wait3A_24 = arith.constant 0 : i32
      %dma_wait3A_25 = tpu.memref_slice %arg4[%add3A, %dma_wait3A_23, %dma_wait3A_24] : memref<32x79x128xi32, #tpu.memory_space<hbm>> -> memref<1x79x128xi32, #tpu.memory_space<hbm>>
      %dma_wait3A_26 = tpu.memref_squeeze %dma_wait3A_25 : memref<1x79x128xi32, #tpu.memory_space<hbm>> -> memref<79x128xi32, #tpu.memory_space<hbm>>
      tpu.wait_dma2 semaphore(%run_scoped3A : memref<!tpu.dma_semaphore, #tpu.memory_space<semaphore_mem>>) src(%dma_wait3A_26 : memref<79x128xi32, #tpu.memory_space<hbm>>) dst(%arg8 : memref<79x128xi32, #tpu.memory_space<vmem>>)
      tpu.yield
    }) : () -> ()
    %barrier3A = arith.constant 0 : index
    tpu.barrier barrier_id(%barrier3A)
    %scan3A = arith.constant 0 : i32
    %scan3A_3 = arith.constant 0 : i32
    %scan3A_4 = arith.constant 79 : i32
    %scan3A_5 = arith.addi %scan3A_3, %scan3A_4 : i32
    %scan3A_6 = arith.constant 1 : i32
    scf.for %scan3A_13 = %scan3A_3 to %scan3A_5 step %scan3A_6  : i32 {
      %dma_start3A = arith.constant 0 : i32
      %dma_start3A_14 = tpu.memref_slice %arg7[%scan3A_13, %dma_start3A] : memref<79x128xi32, #tpu.memory_space<vmem>> -> memref<1x128xi32, #tpu.memory_space<vmem>>
      %dma_start3A_15 = tpu.memref_squeeze %dma_start3A_14 : memref<1x128xi32, #tpu.memory_space<vmem>> -> memref<128xi32, #tpu.memory_space<vmem>>
      %dma_start3A_16 = arith.constant 0 : i32
      %dma_start3A_17 = arith.constant 0 : i32
      %dma_start3A_18 = tpu.memref_slice %arg2[%dma_start3A_16, %dma_start3A_17] : memref<10000x32xf32, #tpu.memory_space<hbm>> -> memref<10000x32xf32, #tpu.memory_space<hbm>>
      tpu.enqueue_indirect_dma source(%dma_start3A_18 : memref<10000x32xf32, #tpu.memory_space<hbm>>) target(%arg9 : memref<128x32xf32, #tpu.memory_space<vmem>>) offsets(%dma_start3A_15 : memref<128xi32, #tpu.memory_space<vmem>>) semaphore(%arg11 : memref<!tpu.dma_semaphore, #tpu.memory_space<semaphore_mem>>)
      %dma_wait3A = arith.constant 0 : i32
      %dma_wait3A_19 = tpu.memref_slice %arg7[%scan3A_13, %dma_wait3A] : memref<79x128xi32, #tpu.memory_space<vmem>> -> memref<1x128xi32, #tpu.memory_space<vmem>>
      %dma_wait3A_20 = tpu.memref_squeeze %dma_wait3A_19 : memref<1x128xi32, #tpu.memory_space<vmem>> -> memref<128xi32, #tpu.memory_space<vmem>>
      %dma_wait3A_21 = arith.constant 0 : i32
      %dma_wait3A_22 = arith.constant 0 : i32
      %dma_wait3A_23 = tpu.memref_slice %arg2[%dma_wait3A_21, %dma_wait3A_22] : memref<10000x32xf32, #tpu.memory_space<hbm>> -> memref<10000x32xf32, #tpu.memory_space<hbm>>
      tpu.wait_indirect_dma semaphore(%arg11 : memref<!tpu.dma_semaphore, #tpu.memory_space<semaphore_mem>>) src(%dma_wait3A_23 : memref<10000x32xf32, #tpu.memory_space<hbm>>) dst(%arg9 : memref<128x32xf32, #tpu.memory_space<vmem>>)
      "tpu.region"() ({
        %run_scoped3A = tpu.sem_alloc : memref<!tpu.dma_semaphore, #tpu.memory_space<semaphore_mem>>
        %dma_start3A_24 = arith.constant 0 : i32
        %dma_start3A_25 = tpu.memref_slice %arg8[%scan3A_13, %dma_start3A_24] : memref<79x128xi32, #tpu.memory_space<vmem>> -> memref<1x128xi32, #tpu.memory_space<vmem>>
        %dma_start3A_26 = tpu.memref_squeeze %dma_start3A_25 : memref<1x128xi32, #tpu.memory_space<vmem>> -> memref<128xi32, #tpu.memory_space<vmem>>
        %dma_start3A_27 = arith.constant 0 : i32
        %dma_start3A_28 = arith.constant 0 : i32
        %dma_start3A_29 = tpu.memref_slice %arg10[%dma_start3A_27, %dma_start3A_28] : memref<10112x32xf32, #tpu.memory_space<vmem_shared>> -> memref<10112x32xf32, #tpu.memory_space<vmem_shared>>
        tpu.enqueue_indirect_dma source(%arg9 : memref<128x32xf32, #tpu.memory_space<vmem>>) target(%dma_start3A_29 : memref<10112x32xf32, #tpu.memory_space<vmem_shared>>) offsets(%dma_start3A_26 : memref<128xi32, #tpu.memory_space<vmem>>) semaphore(%run_scoped3A : memref<!tpu.dma_semaphore, #tpu.memory_space<semaphore_mem>>) {add = true}
        %dma_wait3A_30 = arith.constant 0 : i32
        %dma_wait3A_31 = tpu.memref_slice %arg8[%scan3A_13, %dma_wait3A_30] : memref<79x128xi32, #tpu.memory_space<vmem>> -> memref<1x128xi32, #tpu.memory_space<vmem>>
        %dma_wait3A_32 = tpu.memref_squeeze %dma_wait3A_31 : memref<1x128xi32, #tpu.memory_space<vmem>> -> memref<128xi32, #tpu.memory_space<vmem>>
        %dma_wait3A_33 = arith.constant 0 : i32
        %dma_wait3A_34 = arith.constant 0 : i32
        %dma_wait3A_35 = tpu.memref_slice %arg10[%dma_wait3A_33, %dma_wait3A_34] : memref<10112x32xf32, #tpu.memory_space<vmem_shared>> -> memref<10112x32xf32, #tpu.memory_space<vmem_shared>>
        tpu.wait_indirect_dma semaphore(%run_scoped3A : memref<!tpu.dma_semaphore, #tpu.memory_space<semaphore_mem>>) src(%arg9 : memref<128x32xf32, #tpu.memory_space<vmem>>) dst(%dma_wait3A_35 : memref<10112x32xf32, #tpu.memory_space<vmem_shared>>)
        tpu.yield
      }) : () -> ()
    }
    %scan3A_7 = arith.constant 79 : i32
    %barrier3A_8 = arith.constant 0 : index
    tpu.barrier barrier_id(%barrier3A_8)
    %mul3A_9 = arith.constant 632 : i32
    %mul3A_10 = arith.muli %arg1, %mul3A_9 : i32
    %mul3A_11 = arith.constant 632 : i32
    %mul3A_12 = arith.muli %arg1, %mul3A_11 : i32
    "tpu.region"() ({
      %run_scoped3A = tpu.sem_alloc : memref<!tpu.dma_semaphore, #tpu.memory_space<semaphore_mem>>
      %dma_start3A = arith.constant 0 : i32
      %dma_start3A_13 = tpu.memref_slice %arg6[%arg0, %mul3A_12, %dma_start3A] : memref<2x10112x32xf32, #tpu.memory_space<hbm>> -> memref<1x632x32xf32, #tpu.memory_space<hbm>>
      %dma_start3A_14 = tpu.memref_squeeze %dma_start3A_13 : memref<1x632x32xf32, #tpu.memory_space<hbm>> -> memref<632x32xf32, #tpu.memory_space<hbm>>
      %dma_start3A_15 = arith.constant 0 : i32
      %dma_start3A_16 = tpu.memref_slice %arg10[%mul3A_10, %dma_start3A_15] : memref<10112x32xf32, #tpu.memory_space<vmem_shared>> -> memref<632x32xf32, #tpu.memory_space<vmem_shared>>
      tpu.enqueue_dma source(%dma_start3A_16 : memref<632x32xf32, #tpu.memory_space<vmem_shared>>) target(%dma_start3A_14 : memref<632x32xf32, #tpu.memory_space<hbm>>) target_semaphore(%run_scoped3A : memref<!tpu.dma_semaphore, #tpu.memory_space<semaphore_mem>>)
      %dma_wait3A = arith.constant 0 : i32
      %dma_wait3A_17 = tpu.memref_slice %arg6[%arg0, %mul3A_12, %dma_wait3A] : memref<2x10112x32xf32, #tpu.memory_space<hbm>> -> memref<1x632x32xf32, #tpu.memory_space<hbm>>
      %dma_wait3A_18 = tpu.memref_squeeze %dma_wait3A_17 : memref<1x632x32xf32, #tpu.memory_space<hbm>> -> memref<632x32xf32, #tpu.memory_space<hbm>>
      %dma_wait3A_19 = arith.constant 0 : i32
      %dma_wait3A_20 = tpu.memref_slice %arg10[%mul3A_10, %dma_wait3A_19] : memref<10112x32xf32, #tpu.memory_space<vmem_shared>> -> memref<632x32xf32, #tpu.memory_space<vmem_shared>>
      tpu.wait_dma2 semaphore(%run_scoped3A : memref<!tpu.dma_semaphore, #tpu.memory_space<semaphore_mem>>) src(%dma_wait3A_20 : memref<632x32xf32, #tpu.memory_space<vmem_shared>>) dst(%dma_wait3A_18 : memref<632x32xf32, #tpu.memory_space<hbm>>)
      tpu.yield
    }) : () -> ()
    return
  }
}

#map = affine_map<(d0, d1) -> (0, 0)>
#map1 = affine_map<(d0, d1) -> (0, 0, 0)>
module attributes {stable_mosaic.version = 14 : i64} {
  func.func @seg_sum(%arg0: i32, %arg1: i32, %arg2: memref<10000x64xf32, #tpu.memory_space<hbm>>, %arg3: memref<32x79x128xi32, #tpu.memory_space<hbm>>, %arg4: memref<32x79x128xi32, #tpu.memory_space<hbm>>, %arg5: memref<632x64xf32, #tpu.memory_space<hbm>>, %arg6: memref<2x10112x64xf32, #tpu.memory_space<hbm>>, %arg7: memref<79x128xi32, #tpu.memory_space<vmem>>, %arg8: memref<79x128xi32, #tpu.memory_space<vmem>>, %arg9: memref<128x64xf32, #tpu.memory_space<vmem>>, %arg10: memref<10112x64xf32, #tpu.memory_space<vmem_shared>>, %arg11: memref<!tpu.dma_semaphore, #tpu.memory_space<semaphore_mem>>) attributes {dimension_semantics = [#tpu.dimension_semantics<core_parallel>, #tpu.dimension_semantics<subcore_parallel>], iteration_bounds = array<i64: 2, 16>, scalar_prefetch = 0 : i64, scratch_operands = 5 : i64, tpu.core_type = #tpu.core_type<sc_vector_subcore>, window_params = [{transform_indices = #map}, {transform_indices = #map1}, {transform_indices = #map1}, {transform_indices = #map}, {transform_indices = #map1}]} {
    %mul3A = arith.constant 16 : i32
    %mul3A_0 = arith.muli %arg0, %mul3A : i32
    %add3A = arith.addi %mul3A_0, %arg1 : i32
    %mul3A_1 = arith.constant 632 : i32
    %mul3A_2 = arith.muli %arg1, %mul3A_1 : i32
    "tpu.region"() ({
      %run_scoped3A = tpu.sem_alloc : memref<!tpu.dma_semaphore, #tpu.memory_space<semaphore_mem>>
      %dma_start3A = arith.constant 0 : i32
      %dma_start3A_13 = tpu.memref_slice %arg10[%mul3A_2, %dma_start3A] : memref<10112x64xf32, #tpu.memory_space<vmem_shared>> -> memref<632x64xf32, #tpu.memory_space<vmem_shared>>
      tpu.enqueue_dma source(%arg5 : memref<632x64xf32, #tpu.memory_space<hbm>>) target(%dma_start3A_13 : memref<632x64xf32, #tpu.memory_space<vmem_shared>>) target_semaphore(%run_scoped3A : memref<!tpu.dma_semaphore, #tpu.memory_space<semaphore_mem>>)
      %dma_wait3A = arith.constant 0 : i32
      %dma_wait3A_14 = tpu.memref_slice %arg10[%mul3A_2, %dma_wait3A] : memref<10112x64xf32, #tpu.memory_space<vmem_shared>> -> memref<632x64xf32, #tpu.memory_space<vmem_shared>>
      tpu.wait_dma2 semaphore(%run_scoped3A : memref<!tpu.dma_semaphore, #tpu.memory_space<semaphore_mem>>) src(%arg5 : memref<632x64xf32, #tpu.memory_space<hbm>>) dst(%dma_wait3A_14 : memref<632x64xf32, #tpu.memory_space<vmem_shared>>)
      tpu.yield
    }) : () -> ()
    "tpu.region"() ({
      %run_scoped3A = tpu.sem_alloc : memref<!tpu.dma_semaphore, #tpu.memory_space<semaphore_mem>>
      %dma_start3A = arith.constant 0 : i32
      %dma_start3A_13 = arith.constant 0 : i32
      %dma_start3A_14 = tpu.memref_slice %arg3[%add3A, %dma_start3A, %dma_start3A_13] : memref<32x79x128xi32, #tpu.memory_space<hbm>> -> memref<1x79x128xi32, #tpu.memory_space<hbm>>
      %dma_start3A_15 = tpu.memref_squeeze %dma_start3A_14 : memref<1x79x128xi32, #tpu.memory_space<hbm>> -> memref<79x128xi32, #tpu.memory_space<hbm>>
      %dma_start3A_16 = arith.constant 0 : i32
      %dma_start3A_17 = arith.constant 0 : i32
      %dma_start3A_18 = tpu.memref_slice %arg3[%add3A, %dma_start3A_16, %dma_start3A_17] : memref<32x79x128xi32, #tpu.memory_space<hbm>> -> memref<1x79x128xi32, #tpu.memory_space<hbm>>
      %dma_start3A_19 = tpu.memref_squeeze %dma_start3A_18 : memref<1x79x128xi32, #tpu.memory_space<hbm>> -> memref<79x128xi32, #tpu.memory_space<hbm>>
      tpu.enqueue_dma source(%dma_start3A_19 : memref<79x128xi32, #tpu.memory_space<hbm>>) target(%arg7 : memref<79x128xi32, #tpu.memory_space<vmem>>) target_semaphore(%run_scoped3A : memref<!tpu.dma_semaphore, #tpu.memory_space<semaphore_mem>>)
      %dma_wait3A = arith.constant 0 : i32
      %dma_wait3A_20 = arith.constant 0 : i32
      %dma_wait3A_21 = tpu.memref_slice %arg3[%add3A, %dma_wait3A, %dma_wait3A_20] : memref<32x79x128xi32, #tpu.memory_space<hbm>> -> memref<1x79x128xi32, #tpu.memory_space<hbm>>
      %dma_wait3A_22 = tpu.memref_squeeze %dma_wait3A_21 : memref<1x79x128xi32, #tpu.memory_space<hbm>> -> memref<79x128xi32, #tpu.memory_space<hbm>>
      %dma_wait3A_23 = arith.constant 0 : i32
      %dma_wait3A_24 = arith.constant 0 : i32
      %dma_wait3A_25 = tpu.memref_slice %arg3[%add3A, %dma_wait3A_23, %dma_wait3A_24] : memref<32x79x128xi32, #tpu.memory_space<hbm>> -> memref<1x79x128xi32, #tpu.memory_space<hbm>>
      %dma_wait3A_26 = tpu.memref_squeeze %dma_wait3A_25 : memref<1x79x128xi32, #tpu.memory_space<hbm>> -> memref<79x128xi32, #tpu.memory_space<hbm>>
      tpu.wait_dma2 semaphore(%run_scoped3A : memref<!tpu.dma_semaphore, #tpu.memory_space<semaphore_mem>>) src(%dma_wait3A_26 : memref<79x128xi32, #tpu.memory_space<hbm>>) dst(%arg7 : memref<79x128xi32, #tpu.memory_space<vmem>>)
      tpu.yield
    }) : () -> ()
    "tpu.region"() ({
      %run_scoped3A = tpu.sem_alloc : memref<!tpu.dma_semaphore, #tpu.memory_space<semaphore_mem>>
      %dma_start3A = arith.constant 0 : i32
      %dma_start3A_13 = arith.constant 0 : i32
      %dma_start3A_14 = tpu.memref_slice %arg4[%add3A, %dma_start3A, %dma_start3A_13] : memref<32x79x128xi32, #tpu.memory_space<hbm>> -> memref<1x79x128xi32, #tpu.memory_space<hbm>>
      %dma_start3A_15 = tpu.memref_squeeze %dma_start3A_14 : memref<1x79x128xi32, #tpu.memory_space<hbm>> -> memref<79x128xi32, #tpu.memory_space<hbm>>
      %dma_start3A_16 = arith.constant 0 : i32
      %dma_start3A_17 = arith.constant 0 : i32
      %dma_start3A_18 = tpu.memref_slice %arg4[%add3A, %dma_start3A_16, %dma_start3A_17] : memref<32x79x128xi32, #tpu.memory_space<hbm>> -> memref<1x79x128xi32, #tpu.memory_space<hbm>>
      %dma_start3A_19 = tpu.memref_squeeze %dma_start3A_18 : memref<1x79x128xi32, #tpu.memory_space<hbm>> -> memref<79x128xi32, #tpu.memory_space<hbm>>
      tpu.enqueue_dma source(%dma_start3A_19 : memref<79x128xi32, #tpu.memory_space<hbm>>) target(%arg8 : memref<79x128xi32, #tpu.memory_space<vmem>>) target_semaphore(%run_scoped3A : memref<!tpu.dma_semaphore, #tpu.memory_space<semaphore_mem>>)
      %dma_wait3A = arith.constant 0 : i32
      %dma_wait3A_20 = arith.constant 0 : i32
      %dma_wait3A_21 = tpu.memref_slice %arg4[%add3A, %dma_wait3A, %dma_wait3A_20] : memref<32x79x128xi32, #tpu.memory_space<hbm>> -> memref<1x79x128xi32, #tpu.memory_space<hbm>>
      %dma_wait3A_22 = tpu.memref_squeeze %dma_wait3A_21 : memref<1x79x128xi32, #tpu.memory_space<hbm>> -> memref<79x128xi32, #tpu.memory_space<hbm>>
      %dma_wait3A_23 = arith.constant 0 : i32
      %dma_wait3A_24 = arith.constant 0 : i32
      %dma_wait3A_25 = tpu.memref_slice %arg4[%add3A, %dma_wait3A_23, %dma_wait3A_24] : memref<32x79x128xi32, #tpu.memory_space<hbm>> -> memref<1x79x128xi32, #tpu.memory_space<hbm>>
      %dma_wait3A_26 = tpu.memref_squeeze %dma_wait3A_25 : memref<1x79x128xi32, #tpu.memory_space<hbm>> -> memref<79x128xi32, #tpu.memory_space<hbm>>
      tpu.wait_dma2 semaphore(%run_scoped3A : memref<!tpu.dma_semaphore, #tpu.memory_space<semaphore_mem>>) src(%dma_wait3A_26 : memref<79x128xi32, #tpu.memory_space<hbm>>) dst(%arg8 : memref<79x128xi32, #tpu.memory_space<vmem>>)
      tpu.yield
    }) : () -> ()
    %barrier3A = arith.constant 0 : index
    tpu.barrier barrier_id(%barrier3A)
    %scan3A = arith.constant 0 : i32
    %scan3A_3 = arith.constant 0 : i32
    %scan3A_4 = arith.constant 79 : i32
    %scan3A_5 = arith.addi %scan3A_3, %scan3A_4 : i32
    %scan3A_6 = arith.constant 1 : i32
    scf.for %scan3A_13 = %scan3A_3 to %scan3A_5 step %scan3A_6  : i32 {
      %dma_start3A = arith.constant 0 : i32
      %dma_start3A_14 = tpu.memref_slice %arg7[%scan3A_13, %dma_start3A] : memref<79x128xi32, #tpu.memory_space<vmem>> -> memref<1x128xi32, #tpu.memory_space<vmem>>
      %dma_start3A_15 = tpu.memref_squeeze %dma_start3A_14 : memref<1x128xi32, #tpu.memory_space<vmem>> -> memref<128xi32, #tpu.memory_space<vmem>>
      %dma_start3A_16 = arith.constant 0 : i32
      %dma_start3A_17 = arith.constant 0 : i32
      %dma_start3A_18 = tpu.memref_slice %arg2[%dma_start3A_16, %dma_start3A_17] : memref<10000x64xf32, #tpu.memory_space<hbm>> -> memref<10000x64xf32, #tpu.memory_space<hbm>>
      tpu.enqueue_indirect_dma source(%dma_start3A_18 : memref<10000x64xf32, #tpu.memory_space<hbm>>) target(%arg9 : memref<128x64xf32, #tpu.memory_space<vmem>>) offsets(%dma_start3A_15 : memref<128xi32, #tpu.memory_space<vmem>>) semaphore(%arg11 : memref<!tpu.dma_semaphore, #tpu.memory_space<semaphore_mem>>)
      %dma_wait3A = arith.constant 0 : i32
      %dma_wait3A_19 = tpu.memref_slice %arg7[%scan3A_13, %dma_wait3A] : memref<79x128xi32, #tpu.memory_space<vmem>> -> memref<1x128xi32, #tpu.memory_space<vmem>>
      %dma_wait3A_20 = tpu.memref_squeeze %dma_wait3A_19 : memref<1x128xi32, #tpu.memory_space<vmem>> -> memref<128xi32, #tpu.memory_space<vmem>>
      %dma_wait3A_21 = arith.constant 0 : i32
      %dma_wait3A_22 = arith.constant 0 : i32
      %dma_wait3A_23 = tpu.memref_slice %arg2[%dma_wait3A_21, %dma_wait3A_22] : memref<10000x64xf32, #tpu.memory_space<hbm>> -> memref<10000x64xf32, #tpu.memory_space<hbm>>
      tpu.wait_indirect_dma semaphore(%arg11 : memref<!tpu.dma_semaphore, #tpu.memory_space<semaphore_mem>>) src(%dma_wait3A_23 : memref<10000x64xf32, #tpu.memory_space<hbm>>) dst(%arg9 : memref<128x64xf32, #tpu.memory_space<vmem>>)
      "tpu.region"() ({
        %run_scoped3A = tpu.sem_alloc : memref<!tpu.dma_semaphore, #tpu.memory_space<semaphore_mem>>
        %dma_start3A_24 = arith.constant 0 : i32
        %dma_start3A_25 = tpu.memref_slice %arg8[%scan3A_13, %dma_start3A_24] : memref<79x128xi32, #tpu.memory_space<vmem>> -> memref<1x128xi32, #tpu.memory_space<vmem>>
        %dma_start3A_26 = tpu.memref_squeeze %dma_start3A_25 : memref<1x128xi32, #tpu.memory_space<vmem>> -> memref<128xi32, #tpu.memory_space<vmem>>
        %dma_start3A_27 = arith.constant 0 : i32
        %dma_start3A_28 = arith.constant 0 : i32
        %dma_start3A_29 = tpu.memref_slice %arg10[%dma_start3A_27, %dma_start3A_28] : memref<10112x64xf32, #tpu.memory_space<vmem_shared>> -> memref<10112x64xf32, #tpu.memory_space<vmem_shared>>
        tpu.enqueue_indirect_dma source(%arg9 : memref<128x64xf32, #tpu.memory_space<vmem>>) target(%dma_start3A_29 : memref<10112x64xf32, #tpu.memory_space<vmem_shared>>) offsets(%dma_start3A_26 : memref<128xi32, #tpu.memory_space<vmem>>) semaphore(%run_scoped3A : memref<!tpu.dma_semaphore, #tpu.memory_space<semaphore_mem>>) {add = true}
        %dma_wait3A_30 = arith.constant 0 : i32
        %dma_wait3A_31 = tpu.memref_slice %arg8[%scan3A_13, %dma_wait3A_30] : memref<79x128xi32, #tpu.memory_space<vmem>> -> memref<1x128xi32, #tpu.memory_space<vmem>>
        %dma_wait3A_32 = tpu.memref_squeeze %dma_wait3A_31 : memref<1x128xi32, #tpu.memory_space<vmem>> -> memref<128xi32, #tpu.memory_space<vmem>>
        %dma_wait3A_33 = arith.constant 0 : i32
        %dma_wait3A_34 = arith.constant 0 : i32
        %dma_wait3A_35 = tpu.memref_slice %arg10[%dma_wait3A_33, %dma_wait3A_34] : memref<10112x64xf32, #tpu.memory_space<vmem_shared>> -> memref<10112x64xf32, #tpu.memory_space<vmem_shared>>
        tpu.wait_indirect_dma semaphore(%run_scoped3A : memref<!tpu.dma_semaphore, #tpu.memory_space<semaphore_mem>>) src(%arg9 : memref<128x64xf32, #tpu.memory_space<vmem>>) dst(%dma_wait3A_35 : memref<10112x64xf32, #tpu.memory_space<vmem_shared>>)
        tpu.yield
      }) : () -> ()
    }
    %scan3A_7 = arith.constant 79 : i32
    %barrier3A_8 = arith.constant 0 : index
    tpu.barrier barrier_id(%barrier3A_8)
    %mul3A_9 = arith.constant 632 : i32
    %mul3A_10 = arith.muli %arg1, %mul3A_9 : i32
    %mul3A_11 = arith.constant 632 : i32
    %mul3A_12 = arith.muli %arg1, %mul3A_11 : i32
    "tpu.region"() ({
      %run_scoped3A = tpu.sem_alloc : memref<!tpu.dma_semaphore, #tpu.memory_space<semaphore_mem>>
      %dma_start3A = arith.constant 0 : i32
      %dma_start3A_13 = tpu.memref_slice %arg6[%arg0, %mul3A_12, %dma_start3A] : memref<2x10112x64xf32, #tpu.memory_space<hbm>> -> memref<1x632x64xf32, #tpu.memory_space<hbm>>
      %dma_start3A_14 = tpu.memref_squeeze %dma_start3A_13 : memref<1x632x64xf32, #tpu.memory_space<hbm>> -> memref<632x64xf32, #tpu.memory_space<hbm>>
      %dma_start3A_15 = arith.constant 0 : i32
      %dma_start3A_16 = tpu.memref_slice %arg10[%mul3A_10, %dma_start3A_15] : memref<10112x64xf32, #tpu.memory_space<vmem_shared>> -> memref<632x64xf32, #tpu.memory_space<vmem_shared>>
      tpu.enqueue_dma source(%dma_start3A_16 : memref<632x64xf32, #tpu.memory_space<vmem_shared>>) target(%dma_start3A_14 : memref<632x64xf32, #tpu.memory_space<hbm>>) target_semaphore(%run_scoped3A : memref<!tpu.dma_semaphore, #tpu.memory_space<semaphore_mem>>)
      %dma_wait3A = arith.constant 0 : i32
      %dma_wait3A_17 = tpu.memref_slice %arg6[%arg0, %mul3A_12, %dma_wait3A] : memref<2x10112x64xf32, #tpu.memory_space<hbm>> -> memref<1x632x64xf32, #tpu.memory_space<hbm>>
      %dma_wait3A_18 = tpu.memref_squeeze %dma_wait3A_17 : memref<1x632x64xf32, #tpu.memory_space<hbm>> -> memref<632x64xf32, #tpu.memory_space<hbm>>
      %dma_wait3A_19 = arith.constant 0 : i32
      %dma_wait3A_20 = tpu.memref_slice %arg10[%mul3A_10, %dma_wait3A_19] : memref<10112x64xf32, #tpu.memory_space<vmem_shared>> -> memref<632x64xf32, #tpu.memory_space<vmem_shared>>
      tpu.wait_dma2 semaphore(%run_scoped3A : memref<!tpu.dma_semaphore, #tpu.memory_space<semaphore_mem>>) src(%dma_wait3A_20 : memref<632x64xf32, #tpu.memory_space<vmem_shared>>) dst(%dma_wait3A_18 : memref<632x64xf32, #tpu.memory_space<hbm>>)
      tpu.yield
    }) : () -> ()
    return
  }
}

module attributes {stable_mosaic.version = 14 : i64} {
  func.func @_tc_pre_body(%arg0: memref<10000x128xf32, #tpu.memory_space<vmem>>, %arg1: memref<128x32xf32, #tpu.memory_space<vmem>>, %arg2: memref<10000x32xf32, #tpu.memory_space<vmem>>) attributes {dimension_semantics = [], scalar_prefetch = 0 : i64, scratch_operands = 0 : i64, tpu.core_type = #tpu.core_type<tc>} {
    %get3A = arith.constant 0 : index
    %get3A_0 = arith.constant 0 : index
    %get3A_1 = vector.load %arg0[%get3A, %get3A_0] : memref<10000x128xf32, #tpu.memory_space<vmem>>, vector<10000x128xf32>
    %get3A_2 = arith.constant 0 : index
    %get3A_3 = arith.constant 0 : index
    %get3A_4 = vector.load %arg1[%get3A_2, %get3A_3] : memref<128x32xf32, #tpu.memory_space<vmem>>, vector<128x32xf32>
    %convert_element_type3A = arith.truncf %get3A_1 : vector<10000x128xf32> to vector<10000x128xbf16>
    %convert_element_type3A_5 = arith.truncf %get3A_4 : vector<128x32xf32> to vector<128x32xbf16>
    %dot_general3A = arith.constant dense<0.000000e+00> : vector<10000x32xf32>
    %dot_general3A_6 = tpu.matmul %convert_element_type3A, %convert_element_type3A_5, %dot_general3A {dimension_numbers = #tpu.dot_dimension_numbers<[1], [0], [0], [1], [0, 0, 1, 1], [], []>, transpose_lhs_hint = false} : vector<10000x128xbf16>, vector<128x32xbf16>, vector<10000x32xf32> -> vector<10000x32xf32>
    %swap3A = arith.constant 0 : index
    %swap3A_7 = arith.constant 0 : index
    %swap3A_8 = vector.load %arg2[%swap3A, %swap3A_7] : memref<10000x32xf32, #tpu.memory_space<vmem>>, vector<10000x32xf32>
    tpu.vector_store %arg2[%swap3A, %swap3A_7], %dot_general3A_6 {strides = array<i32>} : memref<10000x32xf32, #tpu.memory_space<vmem>>, vector<10000x32xf32>,
    return
  }
}

module attributes {stable_mosaic.version = 14 : i64} {
  func.func @_tc_mid_body(%arg0: memref<10000x32xf32, #tpu.memory_space<vmem>>, %arg1: memref<2x10112x32xf32, #tpu.memory_space<vmem>>, %arg2: memref<1x32xf32, #tpu.memory_space<vmem>>, %arg3: memref<1x32xf32, #tpu.memory_space<vmem>>, %arg4: memref<1x32xf32, #tpu.memory_space<vmem>>, %arg5: memref<32x64xf32, #tpu.memory_space<vmem>>, %arg6: memref<1x64xf32, #tpu.memory_space<vmem>>, %arg7: memref<64x64xf32, #tpu.memory_space<vmem>>, %arg8: memref<10000x64xf32, #tpu.memory_space<vmem>>) attributes {dimension_semantics = [], scalar_prefetch = 0 : i64, scratch_operands = 0 : i64, tpu.core_type = #tpu.core_type<tc>} {
    %get3A = arith.constant 0 : index
    %get3A_0 = arith.constant 0 : index
    %get3A_1 = vector.load %arg0[%get3A, %get3A_0] : memref<10000x32xf32, #tpu.memory_space<vmem>>, vector<10000x32xf32>
    %get3A_2 = arith.constant 0 : index
    %get3A_3 = arith.constant 0 : index
    %get3A_4 = arith.constant 0 : index
    %get3A_5 = vector.load %arg1[%get3A_2, %get3A_3, %get3A_4] : memref<2x10112x32xf32, #tpu.memory_space<vmem>>, vector<1x10000x32xf32>
    %get3A_6 = vector.shape_cast %get3A_5 : vector<1x10000x32xf32> to vector<10000x32xf32>
    %add3A = arith.addf %get3A_1, %get3A_6 : vector<10000x32xf32>
    %get3A_7 = arith.constant 1 : index
    %get3A_8 = arith.constant 0 : index
    %get3A_9 = arith.constant 0 : index
    %get3A_10 = vector.load %arg1[%get3A_7, %get3A_8, %get3A_9] : memref<2x10112x32xf32, #tpu.memory_space<vmem>>, vector<1x10000x32xf32>
    %get3A_11 = vector.shape_cast %get3A_10 : vector<1x10000x32xf32> to vector<10000x32xf32>
    %add3A_12 = arith.addf %add3A, %get3A_11 : vector<10000x32xf32>
    %get3A_13 = arith.constant 0 : index
    %get3A_14 = arith.constant 0 : index
    %get3A_15 = vector.load %arg2[%get3A_13, %get3A_14] : memref<1x32xf32, #tpu.memory_space<vmem>>, vector<1x32xf32>
    %add3A_16 = vector.broadcast %get3A_15 : vector<1x32xf32> to vector<10000x32xf32>
    %add3A_17 = arith.addf %add3A_12, %add3A_16 : vector<10000x32xf32>
    %reduce_sum3A = arith.constant dense<0.000000e+00> : vector<32xf32>
    %reduce_sum3A_18 = vector.multi_reduction <add>, %add3A_17, %reduce_sum3A [0] : vector<10000x32xf32> to vector<32xf32>
    %broadcast_in_dim3A = vector.shape_cast %reduce_sum3A_18 : vector<32xf32> to vector<1x32xf32>
    %div3A = arith.constant 1.000000e+04 : f32
    %div3A_19 = vector.broadcast %div3A : f32 to vector<1x32xf32>
    %div3A_20 = arith.divf %broadcast_in_dim3A, %div3A_19 : vector<1x32xf32>
    %sub3A = vector.broadcast %div3A_20 : vector<1x32xf32> to vector<10000x32xf32>
    %sub3A_21 = arith.subf %add3A_17, %sub3A : vector<10000x32xf32>
    %mul3A = arith.mulf %sub3A_21, %sub3A_21 : vector<10000x32xf32>
    %reduce_sum3A_22 = arith.constant dense<0.000000e+00> : vector<32xf32>
    %reduce_sum3A_23 = vector.multi_reduction <add>, %mul3A, %reduce_sum3A_22 [0] : vector<10000x32xf32> to vector<32xf32>
    %broadcast_in_dim3A_24 = vector.shape_cast %reduce_sum3A_23 : vector<32xf32> to vector<1x32xf32>
    %div3A_25 = arith.constant 1.000000e+04 : f32
    %div3A_26 = vector.broadcast %div3A_25 : f32 to vector<1x32xf32>
    %div3A_27 = arith.divf %broadcast_in_dim3A_24, %div3A_26 : vector<1x32xf32>
    %add3A_28 = arith.constant 9.99999974E-6 : f32
    %add3A_29 = vector.broadcast %add3A_28 : f32 to vector<1x32xf32>
    %add3A_30 = arith.addf %div3A_27, %add3A_29 : vector<1x32xf32>
    %rsqrt3A = math.rsqrt %add3A_30 : vector<1x32xf32>
    %mul3A_31 = vector.broadcast %rsqrt3A : vector<1x32xf32> to vector<10000x32xf32>
    %mul3A_32 = arith.mulf %sub3A_21, %mul3A_31 : vector<10000x32xf32>
    %get3A_33 = arith.constant 0 : index
    %get3A_34 = arith.constant 0 : index
    %get3A_35 = vector.load %arg3[%get3A_33, %get3A_34] : memref<1x32xf32, #tpu.memory_space<vmem>>, vector<1x32xf32>
    %mul3A_36 = vector.broadcast %get3A_35 : vector<1x32xf32> to vector<10000x32xf32>
    %mul3A_37 = arith.mulf %mul3A_32, %mul3A_36 : vector<10000x32xf32>
    %get3A_38 = arith.constant 0 : index
    %get3A_39 = arith.constant 0 : index
    %get3A_40 = vector.load %arg4[%get3A_38, %get3A_39] : memref<1x32xf32, #tpu.memory_space<vmem>>, vector<1x32xf32>
    %add3A_41 = vector.broadcast %get3A_40 : vector<1x32xf32> to vector<10000x32xf32>
    %add3A_42 = arith.addf %mul3A_37, %add3A_41 : vector<10000x32xf32>
    %max3A = arith.constant 0.000000e+00 : f32
    %max3A_43 = vector.broadcast %max3A : f32 to vector<10000x32xf32>
    %max3A_44 = arith.maximumf %add3A_42, %max3A_43 : vector<10000x32xf32>
    %get3A_45 = arith.constant 0 : index
    %get3A_46 = arith.constant 0 : index
    %get3A_47 = vector.load %arg5[%get3A_45, %get3A_46] : memref<32x64xf32, #tpu.memory_space<vmem>>, vector<32x64xf32>
    %convert_element_type3A = arith.truncf %max3A_44 : vector<10000x32xf32> to vector<10000x32xbf16>
    %convert_element_type3A_48 = arith.truncf %get3A_47 : vector<32x64xf32> to vector<32x64xbf16>
    %dot_general3A = arith.constant dense<0.000000e+00> : vector<10000x64xf32>
    %dot_general3A_49 = tpu.matmul %convert_element_type3A, %convert_element_type3A_48, %dot_general3A {dimension_numbers = #tpu.dot_dimension_numbers<[1], [0], [0], [1], [0, 0, 1, 1], [], []>, transpose_lhs_hint = false} : vector<10000x32xbf16>, vector<32x64xbf16>, vector<10000x64xf32> -> vector<10000x64xf32>
    %get3A_50 = arith.constant 0 : index
    %get3A_51 = arith.constant 0 : index
    %get3A_52 = vector.load %arg6[%get3A_50, %get3A_51] : memref<1x64xf32, #tpu.memory_space<vmem>>, vector<1x64xf32>
    %add3A_53 = vector.broadcast %get3A_52 : vector<1x64xf32> to vector<10000x64xf32>
    %add3A_54 = arith.addf %dot_general3A_49, %add3A_53 : vector<10000x64xf32>
    %max3A_55 = arith.constant 0.000000e+00 : f32
    %max3A_56 = vector.broadcast %max3A_55 : f32 to vector<10000x64xf32>
    %max3A_57 = arith.maximumf %add3A_54, %max3A_56 : vector<10000x64xf32>
    %get3A_58 = arith.constant 0 : index
    %get3A_59 = arith.constant 0 : index
    %get3A_60 = vector.load %arg7[%get3A_58, %get3A_59] : memref<64x64xf32, #tpu.memory_space<vmem>>, vector<64x64xf32>
    %convert_element_type3A_61 = arith.truncf %max3A_57 : vector<10000x64xf32> to vector<10000x64xbf16>
    %convert_element_type3A_62 = arith.truncf %get3A_60 : vector<64x64xf32> to vector<64x64xbf16>
    %dot_general3A_63 = arith.constant dense<0.000000e+00> : vector<10000x64xf32>
    %dot_general3A_64 = tpu.matmul %convert_element_type3A_61, %convert_element_type3A_62, %dot_general3A_63 {dimension_numbers = #tpu.dot_dimension_numbers<[1], [0], [0], [1], [0, 0, 1, 1], [], []>, transpose_lhs_hint = false} : vector<10000x64xbf16>, vector<64x64xbf16>, vector<10000x64xf32> -> vector<10000x64xf32>
    %swap3A = arith.constant 0 : index
    %swap3A_65 = arith.constant 0 : index
    %swap3A_66 = vector.load %arg8[%swap3A, %swap3A_65] : memref<10000x64xf32, #tpu.memory_space<vmem>>, vector<10000x64xf32>
    tpu.vector_store %arg8[%swap3A, %swap3A_65], %dot_general3A_64 {strides = array<i32>} : memref<10000x64xf32, #tpu.memory_space<vmem>>, vector<10000x64xf32>,
    return
  }
}

module attributes {stable_mosaic.version = 14 : i64} {
  func.func @_tc_fin_body(%arg0: memref<10000x64xf32, #tpu.memory_space<vmem>>, %arg1: memref<2x10112x64xf32, #tpu.memory_space<vmem>>, %arg2: memref<1x64xf32, #tpu.memory_space<vmem>>, %arg3: memref<1x64xf32, #tpu.memory_space<vmem>>, %arg4: memref<1x64xf32, #tpu.memory_space<vmem>>, %arg5: memref<64x128xf32, #tpu.memory_space<vmem>>, %arg6: memref<1x128xf32, #tpu.memory_space<vmem>>, %arg7: memref<10000x128xf32, #tpu.memory_space<vmem>>, %arg8: memref<1x128xf32, #tpu.memory_space<vmem>>) attributes {dimension_semantics = [], scalar_prefetch = 0 : i64, scratch_operands = 0 : i64, tpu.core_type = #tpu.core_type<tc>} {
    %get3A = arith.constant 0 : index
    %get3A_0 = arith.constant 0 : index
    %get3A_1 = vector.load %arg0[%get3A, %get3A_0] : memref<10000x64xf32, #tpu.memory_space<vmem>>, vector<10000x64xf32>
    %get3A_2 = arith.constant 0 : index
    %get3A_3 = arith.constant 0 : index
    %get3A_4 = arith.constant 0 : index
    %get3A_5 = vector.load %arg1[%get3A_2, %get3A_3, %get3A_4] : memref<2x10112x64xf32, #tpu.memory_space<vmem>>, vector<1x10000x64xf32>
    %get3A_6 = vector.shape_cast %get3A_5 : vector<1x10000x64xf32> to vector<10000x64xf32>
    %add3A = arith.addf %get3A_1, %get3A_6 : vector<10000x64xf32>
    %get3A_7 = arith.constant 1 : index
    %get3A_8 = arith.constant 0 : index
    %get3A_9 = arith.constant 0 : index
    %get3A_10 = vector.load %arg1[%get3A_7, %get3A_8, %get3A_9] : memref<2x10112x64xf32, #tpu.memory_space<vmem>>, vector<1x10000x64xf32>
    %get3A_11 = vector.shape_cast %get3A_10 : vector<1x10000x64xf32> to vector<10000x64xf32>
    %add3A_12 = arith.addf %add3A, %get3A_11 : vector<10000x64xf32>
    %get3A_13 = arith.constant 0 : index
    %get3A_14 = arith.constant 0 : index
    %get3A_15 = vector.load %arg2[%get3A_13, %get3A_14] : memref<1x64xf32, #tpu.memory_space<vmem>>, vector<1x64xf32>
    %add3A_16 = vector.broadcast %get3A_15 : vector<1x64xf32> to vector<10000x64xf32>
    %add3A_17 = arith.addf %add3A_12, %add3A_16 : vector<10000x64xf32>
    %reduce_sum3A = arith.constant dense<0.000000e+00> : vector<64xf32>
    %reduce_sum3A_18 = vector.multi_reduction <add>, %add3A_17, %reduce_sum3A [0] : vector<10000x64xf32> to vector<64xf32>
    %broadcast_in_dim3A = vector.shape_cast %reduce_sum3A_18 : vector<64xf32> to vector<1x64xf32>
    %div3A = arith.constant 1.000000e+04 : f32
    %div3A_19 = vector.broadcast %div3A : f32 to vector<1x64xf32>
    %div3A_20 = arith.divf %broadcast_in_dim3A, %div3A_19 : vector<1x64xf32>
    %sub3A = vector.broadcast %div3A_20 : vector<1x64xf32> to vector<10000x64xf32>
    %sub3A_21 = arith.subf %add3A_17, %sub3A : vector<10000x64xf32>
    %mul3A = arith.mulf %sub3A_21, %sub3A_21 : vector<10000x64xf32>
    %reduce_sum3A_22 = arith.constant dense<0.000000e+00> : vector<64xf32>
    %reduce_sum3A_23 = vector.multi_reduction <add>, %mul3A, %reduce_sum3A_22 [0] : vector<10000x64xf32> to vector<64xf32>
    %broadcast_in_dim3A_24 = vector.shape_cast %reduce_sum3A_23 : vector<64xf32> to vector<1x64xf32>
    %div3A_25 = arith.constant 1.000000e+04 : f32
    %div3A_26 = vector.broadcast %div3A_25 : f32 to vector<1x64xf32>
    %div3A_27 = arith.divf %broadcast_in_dim3A_24, %div3A_26 : vector<1x64xf32>
    %add3A_28 = arith.constant 9.99999974E-6 : f32
    %add3A_29 = vector.broadcast %add3A_28 : f32 to vector<1x64xf32>
    %add3A_30 = arith.addf %div3A_27, %add3A_29 : vector<1x64xf32>
    %rsqrt3A = math.rsqrt %add3A_30 : vector<1x64xf32>
    %mul3A_31 = vector.broadcast %rsqrt3A : vector<1x64xf32> to vector<10000x64xf32>
    %mul3A_32 = arith.mulf %sub3A_21, %mul3A_31 : vector<10000x64xf32>
    %get3A_33 = arith.constant 0 : index
    %get3A_34 = arith.constant 0 : index
    %get3A_35 = vector.load %arg3[%get3A_33, %get3A_34] : memref<1x64xf32, #tpu.memory_space<vmem>>, vector<1x64xf32>
    %mul3A_36 = vector.broadcast %get3A_35 : vector<1x64xf32> to vector<10000x64xf32>
    %mul3A_37 = arith.mulf %mul3A_32, %mul3A_36 : vector<10000x64xf32>
    %get3A_38 = arith.constant 0 : index
    %get3A_39 = arith.constant 0 : index
    %get3A_40 = vector.load %arg4[%get3A_38, %get3A_39] : memref<1x64xf32, #tpu.memory_space<vmem>>, vector<1x64xf32>
    %add3A_41 = vector.broadcast %get3A_40 : vector<1x64xf32> to vector<10000x64xf32>
    %add3A_42 = arith.addf %mul3A_37, %add3A_41 : vector<10000x64xf32>
    %max3A = arith.constant 0.000000e+00 : f32
    %max3A_43 = vector.broadcast %max3A : f32 to vector<10000x64xf32>
    %max3A_44 = arith.maximumf %add3A_42, %max3A_43 : vector<10000x64xf32>
    %get3A_45 = arith.constant 0 : index
    %get3A_46 = arith.constant 0 : index
    %get3A_47 = vector.load %arg5[%get3A_45, %get3A_46] : memref<64x128xf32, #tpu.memory_space<vmem>>, vector<64x128xf32>
    %convert_element_type3A = arith.truncf %max3A_44 : vector<10000x64xf32> to vector<10000x64xbf16>
    %convert_element_type3A_48 = arith.truncf %get3A_47 : vector<64x128xf32> to vector<64x128xbf16>
    %dot_general3A = arith.constant dense<0.000000e+00> : vector<10000x128xf32>
    %dot_general3A_49 = tpu.matmul %convert_element_type3A, %convert_element_type3A_48, %dot_general3A {dimension_numbers = #tpu.dot_dimension_numbers<[1], [0], [0], [1], [0, 0, 1, 1], [], []>, transpose_lhs_hint = false} : vector<10000x64xbf16>, vector<64x128xbf16>, vector<10000x128xf32> -> vector<10000x128xf32>
    %get3A_50 = arith.constant 0 : index
    %get3A_51 = arith.constant 0 : index
    %get3A_52 = vector.load %arg6[%get3A_50, %get3A_51] : memref<1x128xf32, #tpu.memory_space<vmem>>, vector<1x128xf32>
    %add3A_53 = vector.broadcast %get3A_52 : vector<1x128xf32> to vector<10000x128xf32>
    %add3A_54 = arith.addf %dot_general3A_49, %add3A_53 : vector<10000x128xf32>
    %max3A_55 = arith.constant 0.000000e+00 : f32
    %max3A_56 = vector.broadcast %max3A_55 : f32 to vector<10000x128xf32>
    %max3A_57 = arith.maximumf %add3A_54, %max3A_56 : vector<10000x128xf32>
    %swap3A = arith.constant 0 : index
    %swap3A_58 = arith.constant 0 : index
    %swap3A_59 = vector.load %arg7[%swap3A, %swap3A_58] : memref<10000x128xf32, #tpu.memory_space<vmem>>, vector<10000x128xf32>
    tpu.vector_store %arg7[%swap3A, %swap3A_58], %max3A_57 {strides = array<i32>} : memref<10000x128xf32, #tpu.memory_space<vmem>>, vector<10000x128xf32>,
    %reduce_sum3A_60 = arith.constant dense<0.000000e+00> : vector<128xf32>
    %reduce_sum3A_61 = vector.multi_reduction <add>, %max3A_57, %reduce_sum3A_60 [0] : vector<10000x128xf32> to vector<128xf32>
    %broadcast_in_dim3A_62 = vector.shape_cast %reduce_sum3A_61 : vector<128xf32> to vector<1x128xf32>
    %div3A_63 = arith.constant 1.000000e+04 : f32
    %div3A_64 = vector.broadcast %div3A_63 : f32 to vector<1x128xf32>
    %div3A_65 = arith.divf %broadcast_in_dim3A_62, %div3A_64 : vector<1x128xf32>
    %swap3A_66 = arith.constant 0 : index
    %swap3A_67 = arith.constant 0 : index
    %swap3A_68 = vector.load %arg8[%swap3A_66, %swap3A_67] : memref<1x128xf32, #tpu.memory_space<vmem>>, vector<1x128xf32>
    tpu.vector_store %arg8[%swap3A_66, %swap3A_67], %div3A_65 {strides = array<i32>} : memref<1x128xf32, #tpu.memory_space<vmem>>, vector<1x128xf32>,
    return
  }
}

</mosaic_0001>

<sc_bundles>
// kernel: kernel.10.cloned.1.call-start
scs
__scs_entry_jumppad:
0x0: {  	(pc) =	sbr.rel $0x88, $3  }
0x1: {  	(tag) =	ssettag $0x0;
	lr =	simm.s32 $0x1  }
0x2: {  	[smem:$0x3F93] =	sst lr;
	_ =	strace $0xD0000000  }
0x3: {  	_ = 	snop  }
0x4: {  	_ = 	snop  }
0x5: {  	_ = 	snop  }
0x6: {  	_ = 	snop  }
0x7: {  	_ = 	snop  }
__scs_overlays_trampoline_lowered:
0x8: {  	[smem:$0x3FA2] =	sst s0  }
0x9: {  	[smem:$0x3FA3] =	sst s1  }
0xa: {  	[smem:$0x3FA4] =	sst s2  }
0xb: {  	[smem:$0x3FA5] =	sst s3  }
0xc: {  	[smem:$0x3FA6] =	sst s4  }
0xd: {  	[smem:$0x3FA7] =	sst s5  }
0xe: {  	[smem:$0x3FA8] =	sst s6  }
0xf: {  	[smem:$0x3FA9] =	sst s7  }
0x10: {  	[smem:$0x3FAA] =	sst s8  }
0x11: {  	[smem:$0x3FAB] =	sst s9;
	s0 =	simm.s32 @!p0 $0x0  }
0x12: {  	s1 =	sld [smem:$0x3F91];
	s0 =	simm.s32 @p0 $0x1  }
0x13: {  	[smem:$0x3FAC] =	sst s0;
	s0 =	simm.s32 @!p1 $0x0  }
0x14: {  	s2 =	sld [smem:$0x3F90];
	s0 =	simm.s32 @p1 $0x1  }
0x15: {  	[smem:$0x3FAD] =	sst s0;
	s0 =	simm.s32 @!p2 $0x0  }
0x16: {  	s3 =	sld [smem:$0x3FDB];
	s0 =	simm.s32 @p2 $0x1  }
0x17: {  	s4 =	simm.s32 $0x1BF5;
	[smem:$0x3FAF] =	sst s0  }
0x18: {  	s0 =	sld [smem:$0x3F92];
	_ =	swait.ge [sflag:s4], $0x0  }
0x19: {  	s7 =	sld [smem:$0x3F93]  }
0x1a: {  	s8 =	sadd.s32 $0xFFFFE003, lr  }
0x1b: {  	s9 =	sadd.s32 $0xFFFFFEF7, lr;
	s5 =	simm.s32 $0xFFFFFFFF;
	p2 =	slt.u32 s8, $0xFFFFF086  }
0x1c: {  	p1 =	slt.u32 s9, $0xF7A;
	s5 =	simm.s32 @!p2 $0x0  }
0x1d: {  	s5 =	simm.s32 @p1 $0x1;
	p0 =	seq.s32 s7, s2  }
0x1e: {  	s7 =	smul.u32 @!p0 $0xF7A, s2;
	p2 =	seq.s32 @!p0 s5, $0x0  }
0x1f: {  	s9 =	smul.u32 $0xF7A, s1;
	s8 =	simm.s32 @!p0 $0x1BF5;
	p2 =	por !p2, p0  }
0x20: {  	[sflag:s8] =	ssyncset.s32 @!p0 $0xFFFFF086;
	s6 =	sadd.s32 @!p0 s3, s7;
	s7 =	simm.s32 @!p0 $0x108  }
0x21: {  	s3 =	sadd.s32 s3, s9;
	s6 =	sadd.s32 @!p0 $0x88, s6;
	s7 =	simm.s32 @p2 $0x1082  }
0x22: {  	[simem:s7], [sflag:s8] =	dma.local @!p0 [hbm:s6], $0xF7A  }
0x23: {  	s9 =	sor.u32 $0xD0000000, s2;
	s6 =	simm.s32 $0x108;
	_ =	swait.ge @!p0 [sflag:s8], $0x0  }
0x24: {  	s3 =	sadd.s32 $0x88, s3;
	s6 =	simm.s32 @!p1 $0x1082;
	[sflag:s4] =	ssyncset.s32 $0xFFFFF086  }
0x25: {  	[simem:s6], [sflag:s4] =	dma.local [hbm:s3], $0xF7A  }
0x26: {  	[smem:$0x3F93] =	sst s1;
	(tag) =	ssettag s2;
	_ =	strace s9  }
0x27: {  	s1 =	sld [smem:$0x3FA3]  }
0x28: {  	s2 =	sld [smem:$0x3FA4]  }
0x29: {  	s4 =	sld [smem:$0x3FA6]  }
0x2a: {  	p0 =	seq.s32 s5, $0x0;
	s5 =	sld [smem:$0x3FA7]  }
0x2b: {  	s6 =	sld [smem:$0x3FA8]  }
0x2c: {  	s7 =	sld [smem:$0x3FA9]  }
0x2d: {  	s3 =	simm.s32 $0x108;
	s8 =	sld [smem:$0x3FAA]  }
0x2e: {  	s3 =	simm.s32 @!p0 $0x1082;
	s9 =	sld [smem:$0x3FAB]  }
0x2f: {  	lr =	sadd.s32 s0, s3;
	s0 =	sld [smem:$0x3FA2]  }
0x30: {  	s3 =	sld [smem:$0x3FA5]  }
0x31: {  	[smem:$0x3FAE] =	sst s10  }
0x32: {  	s10 =	sld [smem:$0x3FAC];
	_ =	sdelay $0x3  }
0x33: {  	p0 =	seq.s32 s10, $0x1;
	s10 =	sld [smem:$0x3FAE];
	_ =	sdelay $0x3  }
0x34: {  	[smem:$0x3FAE] =	sst s10  }
0x35: {  	s10 =	sld [smem:$0x3FAD];
	_ =	sdelay $0x3  }
0x36: {  	p1 =	seq.s32 s10, $0x1;
	s10 =	sld [smem:$0x3FAE];
	_ =	sdelay $0x3  }
0x37: {  	[smem:$0x3FAE] =	sst s10  }
0x38: {  	s10 =	sld [smem:$0x3FAF]  }
0x39: {  	_ = 	snop;
	(pc) =	sbr.ind lr, $3  }
0x3a: {  	_ = 	snop  }
0x3b: {  	_ = 	snop  }
0x3c: {  	p2 =	seq.s32 s10, $0x1;
	s10 =	sld [smem:$0x3FAE]  }
0x3d: {  	_ =	shalt  }
0x3e: {  	_ =	shalt  }
0x3f: {  	_ =	shalt  }
0x40: {  	_ =	shalt  }
0x41: {  	_ =	shalt  }
0x42: {  	_ =	shalt  }
0x43: {  	_ =	shalt  }
0x44: {  	_ =	shalt  }
0x45: {  	_ =	shalt  }
0x46: {  	_ =	shalt  }
0x47: {  	_ =	shalt  }
0x48: {  	_ =	shalt  }
0x49: {  	_ =	shalt  }
0x4a: {  	_ =	shalt  }
0x4b: {  	_ =	shalt  }
0x4c: {  	_ =	shalt  }
0x4d: {  	_ =	shalt  }
0x4e: {  	_ =	shalt  }
0x4f: {  	_ =	shalt  }
0x50: {  	_ =	shalt  }
0x51: {  	_ =	shalt  }
0x52: {  	_ =	shalt  }
0x53: {  	_ =	shalt  }
0x54: {  	_ =	shalt  }
0x55: {  	_ =	shalt  }
0x56: {  	_ =	shalt  }
0x57: {  	_ =	shalt  }
0x58: {  	_ =	shalt  }
0x59: {  	_ =	shalt  }
0x5a: {  	_ =	shalt  }
0x5b: {  	_ =	shalt  }
0x5c: {  	_ =	shalt  }
0x5d: {  	_ =	shalt  }
0x5e: {  	_ =	shalt  }
0x5f: {  	_ =	shalt  }
0x60: {  	_ =	shalt  }
0x61: {  	_ =	shalt  }
0x62: {  	_ =	shalt  }
0x63: {  	_ =	shalt  }
0x64: {  	_ =	shalt  }
0x65: {  	_ =	shalt  }
0x66: {  	_ =	shalt  }
0x67: {  	_ =	shalt  }
0x68: {  	_ =	shalt  }
0x69: {  	_ =	shalt  }
0x6a: {  	_ =	shalt  }
0x6b: {  	_ =	shalt  }
0x6c: {  	_ =	shalt  }
0x6d: {  	_ =	shalt  }
0x6e: {  	_ =	shalt  }
0x6f: {  	_ =	shalt  }
0x70: {  	_ =	shalt  }
0x71: {  	_ =	shalt  }
0x72: {  	_ =	shalt  }
0x73: {  	_ =	shalt  }
0x74: {  	_ =	shalt  }
0x75: {  	_ =	shalt  }
0x76: {  	_ =	shalt  }
0x77: {  	_ =	shalt  }
0x78: {  	_ =	shalt  }
0x79: {  	_ =	shalt  }
0x7a: {  	_ =	shalt  }
0x7b: {  	_ =	shalt  }
0x7c: {  	_ =	shalt  }
0x7d: {  	_ =	shalt  }
0x7e: {  	_ =	shalt  }
0x7f: {  	_ =	shalt  }
0x80: {  	_ =	shalt  }
0x81: {  	_ =	shalt  }
0x82: {  	_ =	shalt  }
0x83: {  	_ =	shalt  }
0x84: {  	_ =	shalt  }
0x85: {  	_ =	shalt  }
0x86: {  	_ =	shalt  }
0x87: {  	_ =	shalt  }
.Lfunc_end0:
.L_simem_size_0:
called_computation.1_lowered:
.L_overlay_start_0:
0x88: {  	s2 =	sld [smem:$0x3FD9]  }
0x89: {  	s3 =	sld [smem:$0x3FFE];
	_ =	sdelay $0x1  }
0x8a: {  	s1 =	srdreg.scid  }
0x8b: {  	s0 =	sand.u32 $0x1, s1  }
0x8c: {  	s14 =	sshll.u32 s0, $0xA;
	s2 =	sadd.s32 s3, s2  }
0x8d: {  	s2 =	sadd.s32 s2, s14  }
0x8e: {  	[smem:$0x3FBA] =	sst s2  }
0x8f: {  	_ = 	snop  }
0x90: {  	s2 =	sld [smem:$0x3FD0];
	_ =	sdelay $0x2  }
0x91: {  	s15 =	simm.s32 $0xA;
	s4 =	simm.s32 $0x10  }
0x92: {  	[smem:s4], [sflag:s15] =	dma.local [hbm:s2], $0x1  }
0x93: {  	_ =	swait.eq [sflag:s15], $0x1  }
0x94: {  	[sflag:s15] =	ssyncset.done $0x0  }
0x95: {  	[sflag:s15] =	ssyncadd.s32 $0xFFFFFFFF  }
0x96: {  	s16 =	sld [smem:$0x10];
	(tm) =	ssettm $0x1  }
0x97: {  	s17 =	sld [smem:$0x3FFB];
	_ =	sdelay $0x3  }
0x98: {  	_ =	strace s17  }
0x99: {  	s3 =	sld [smem:$0x3FFC];
	_ =	sdelay $0x3  }
0x9a: {  	_ =	strace s3  }
0x9b: {  	s3 =	sld [smem:$0x3FFD];
	_ =	sdelay $0x3  }
0x9c: {  	_ =	strace s3  }
0x9d: {  	_ =	strace $0x8FFFFFFF  }
0x9e: {  	s18 =	sld [smem:$0x3FDB];
	_ =	sdelay $0x1  }
0x9f: {  	s19 =	simm.s32 $_scs_section_size  }
0xa0: {  	s5 =	simm.s32 $_size__tile_overlayer_lowered;
	s6 =	simm.s32 $_tile_overlayer_lowered  }
0xa1: {  	s22 =	simm.s32 $0x1BFF;
	s21 =	sshll.u32 s6, $0x1;
	s3 =	sadd.s32 s19, s18  }
0xa2: {  	s7 =	simm.s32 $0x0;
	s20 =	sshll.u32 s5, $0x1;
	s5 =	sadd.s32 s21, s3  }
0xa3: {  	[timem:s7], [sflag:s22] =	dma.local [hbm:s5], s20  }
0xa4: {  	_ =	swait.ge [sflag:s22], s20  }
0xa5: {  	s4 =	ssub.s32 $0x0, s20;
	[sflag:s22] =	ssyncset.done $0x0  }
0xa6: {  	[sflag:s22] =	ssyncadd.s32 s4;
	_ =	sdelay $0x1  }
0xa7: {  	s23 =	simm.s32 $0x1B8B  }
0xa8: {  	_ =	swait.ge [sflag:s23], $0x1  }
0xa9: {  	[sflag:s23] =	ssyncset.done $0x0  }
0xaa: {  	s25 =	simm.s32 $0x1B8E;
	s24 =	sld [smem:$0x3FFE];
	[sflag:s23] =	ssyncadd.s32 $0xFFFFFFFF  }
0xab: {  	s26 =	simm.s32 $execute0_lowered;
	[smem:$0x3FD2] =	sst s25  }
0xac: {  	s5 =	sshll.u32 s26, $0x1;
	_ =	strace $0x80000049;
	[dreg:$0x1] =	wrdreg $0xFFFFFFFF  }
0xad: {  	s28 =	simm.s32 $_size_execute0_lowered;
	s3 =	sadd.s32 s3, s5;
	[dreg:$0x0] =	wrdreg $0x0  }
0xae: {  	s5 =	sshll.u32 s28, $0x1;
	[dreg:$0x2] =	wrdreg s3  }
0xaf: {  	[dreg:$0x3] =	wrdreg s5  }
0xb0: {  	[dreg:$0x4] =	wrdreg $0xC0  }
0xb1: {  	_ =	task [dreg:s7], $0x5FFFF  }
0xb2: {  	[dreg:$0x1] =	wrdreg $0xFFFFFFFF  }
0xb3: {  	[dreg:$0x0] =	wrdreg $0x60  }
0xb4: {  	[dreg:$0x2] =	wrdreg s16  }
0xb5: {  	[dreg:$0x3] =	wrdreg s24  }
0xb6: {  	[dreg:$0x4] =	wrdreg $0x6F000  }
0xb7: {  	[dreg:$0x5] =	wrdreg $0x9  }
0xb8: {  	_ =	task.clear_ibuf [dreg:s7], $0x6FFFF;
	_ =	strace $0x90000049  }
0xb9: {  	s29 =	simm.s32 $0x9;
	_ =	strace $0x8000004B  }
0xba: {  	_ =	swait.ge [sflag:s29], $0x1  }
0xbb: {  	[sflag:s29] =	ssyncadd.s32 $0xFFFFFFFF  }
0xbc: {  	_ =	strace $0x9000004B  }
0xbd: {  	_ =	sfence  }
0xbe: {  	s30 =	sld [smem:$0x0];
	_ =	sdelay $0x2  }
0xbf: {  	s31 =	sshll.u32 s1, $0xD;
	s1 =	sshrl.u32 s1, $0x2  }
0xc0: {  	s3 =	sand.u32 $0x4000, s31;
	s1 =	sadd.s32 s1, s30  }
0xc1: {  	s0 =	sor.u32 s3, s0;
	s1 =	sshll.u32 s1, $0x11  }
0xc2: {  	s0 =	sor.u32 s1, s0  }
0xc3: {  	s0 =	sadd.s32 $0x8F2B, s0  }
0xc4: {  	[sflag:s0] =	ssyncadd.remote.s32 $0x1  }
0xc5: {  	_ =	sfence.sel $0xFFFF  }
0xc6: {  	[dreg:$0x0] =	wrdreg $0xFFFFFFFF;
	(pc) =	sbr.abs _section_cstart, $3  }
0xc7: {  	[dreg:$0x1] =	wrdreg $0xFFFFFFFF  }
0xc8: {  	_ =	task.clear_ibuf [dreg:s7], $0x2FFFF;
	_ =	strace $0x9FFFFFFF  }
0xc9: {  	(tm) =	ssettm $0x7FFFFFFF  }
tec
execute0_lowered:
.L_overlay_start_1:
0x0: {  	(tag) =	ssettag $0x1  }
0x1: {  	s2 =	rddreg [dreg:$0x0]  }
0x2: {  	s6 =	rddreg [dreg:$0x1]  }
0x3: {  	s0 =	srdreg.scid;
	s3 =	rddreg [dreg:$0x2]  }
0x4: {  	s1 =	stileid.u32;
	s4 =	simm.s32 $0x0;
	s14 =	simm.s32 $0x80  }
0x5: {  	s15 =	simm.s32 $0x4F00;
	s16 =	simm.s32 $0x1;
	s17 =	simm.s32 $0x0  }
0x6: {  	s5 =	sand.u32 $0x1, s0;
	s0 =	rddreg [dreg:$0x3];
	s8 =	smul.u32 $0x9E00, s1  }
0x7: {  	[smem:$0x7FF] =	sst s4;
	s31 =	sshll.u32 s1, $0x6;
	s7 =	sshll.u32 s5, $0x4  }
0x8: {  	s9 =	smul.u32 $0x9E000, s5;
	_ =	strace $0x8000004A;
	s7 =	sor.u32 s1, s7  }
0x9: {  	s29 =	ssub.s32 $0x2, s5;
	s5 =	sadd.s32 $0x1800, s6;
	s7 =	smul.u32 $0x4F0, s7  }
0xa: {  	s30 =	sshrl.u32 s29, $0x1;
	s13 =	sadd.s32 s8, s3;
	s9 =	sadd.s32 s8, s9  }
0xb: {  	s12 =	ssub.s32 s29, s30;
	s28 =	sshrl.u32 s9, $0x3;
	s10 =	sadd.s32 s7, s6  }
0xc: {  	s11 =	sadd.s32 s28, s6;
	s6 =	sor.u32 $0x1C02, s31;
	s7 =	sadd.s32 $0x15400, s10  }
0xd: {  	s8 =	sadd.s32 $0xB600, s10;
	s9 =	sadd.s32 $0x1F200, s11;
	s10 =	smax.u32 s12, $0x1  }
0xe: {  	s11 =	sshrl.u32 s13, $0x3;
	s12 =	simm.s32 $0x2;
	s13 =	simm.s32 $0x2780  }
.LBB2_1:
0xf: {  	[spmem:s11], [sflag:s6] =	dma.local [hbm:s5], $0x13C0  }
0x10: {  	_ =	swait.ge [sflag:s12], $0x13C0  }
0x11: {  	[sflag:s12] =	ssyncset.done $0x0  }
0x12: {  	[sflag:s12] =	ssyncadd.s32 $0xFFFFEC40  }
0x13: {  	[tilespmem:s4], [sflag:$0x2] =	stream.linear.gather [hbm4b:s7+s4], $0x2780, $0x38;
	[tilespmem:$0x10D00] =	vst v63  }
0x14: {  	_ =	swait.ge [sflag:s12], $0x2780  }
0x15: {  	[sflag:s12] =	ssyncset.done $0x0  }
0x16: {  	[sflag:s12] =	ssyncadd.s32 $0xFFFFD880  }
0x17: {  	[tilespmem:s13], [sflag:$0x2] =	stream.linear.gather [hbm4b:s8+s4], $0x2780, $0x38;
	[tilespmem:$0x10D00] =	vst v63  }
0x18: {  	_ =	swait.ge [sflag:s12], $0x2780  }
0x19: {  	[sflag:s12] =	ssyncset.done $0x0  }
0x1a: {  	[sflag:s12] =	ssyncadd.s32 $0xFFFFD880  }
0x1b: {  	s18 =	simm.s32 $0x0;
	[bflag:$0x0] =	sbarrier.arrive $0xFFFF  }
0x1c: {  	[tilespmem:s15], [sflag:$0x1] =	stream.indirect.gather [hbm4b:s2+s14], $0x40, s18, s14, $0xb8;
	[tilespmem:$0x10D00] =	vst v63  }
0x1d: {  	_ =	swait.ge [sflag:s16], $0x2000  }
0x1e: {  	[sflag:s16] =	ssyncset.done $0x0  }
0x1f: {  	s31 =	simm.s32 $0x2780;
	[sflag:s16] =	ssyncadd.s32 $0xFFFFE000  }
0x20: {  	[spmem:s3] =	stream.indirect.scatter.add.f32 [tilespmem:s15], [sflag:$0x2], $0x40, s31, s14, $0xb8;
	[tilespmem:$0x10D00] =	vst v63  }
0x21: {  	_ =	swait.ge [sflag:s12], $0x2000  }
0x22: {  	s19 =	simm.s32 $0x400;
	s18 =	simm.s32 $0x200;
	[sflag:s12] =	ssyncset.done $0x0  }
.LBB2_2:
0x23: {  	s20 =	sshra.s32 s18, $0x2  }
0x24: {  	[sflag:s12] =	ssyncadd.s32 $0xFFFFE000;
	s18 =	smov.u32 s19;
	s21 =	sadd.s32 $0x200, s19  }
0x25: {  	[tilespmem:s15], [sflag:$0x1] =	stream.indirect.gather [hbm4b:s2+s14], $0x40, s20, s14, $0xb8;
	[tilespmem:$0x10D00] =	vst v63  }
0x26: {  	p0 =	sne.s32 s19, $0x9C00;
	_ =	swait.ge [sflag:s16], $0x2000  }
.Ltmp0:
0x27: {  	[sflag:s16] =	ssyncset.done $0x0;
	(pc) =	sbr.rel @p0 .LBB2_2-.Ltmp0, $4  }
0x28: {  	s19 =	sadd.s32 $0x2780, s20;
	[sflag:s16] =	ssyncadd.s32 $0xFFFFE000  }
0x29: {  	[spmem:s3] =	stream.indirect.scatter.add.f32 [tilespmem:s15], [sflag:$0x2], $0x40, s19, s14, $0xb8;
	[tilespmem:$0x10D00] =	vst v63  }
0x2a: {  	_ =	swait.ge [sflag:s12], $0x2000  }
0x2b: {  	s19 =	smov.u32 s21;
	[sflag:s12] =	ssyncset.done $0x0  }
0x2c: {  	s18 =	sshra.s32 s18, $0x2;
	[sflag:s12] =	ssyncadd.s32 $0xFFFFE000  }
0x2d: {  	[tilespmem:s15], [sflag:$0x1] =	stream.indirect.gather [hbm4b:s2+s14], $0x40, s18, s14, $0xb8;
	[tilespmem:$0x10D00] =	vst v63  }
0x2e: {  	_ =	swait.ge [sflag:s16], $0x2000  }
0x2f: {  	[sflag:s16] =	ssyncset.done $0x0  }
0x30: {  	s18 =	sadd.s32 $0x2780, s18;
	[sflag:s16] =	ssyncadd.s32 $0xFFFFE000  }
0x31: {  	[spmem:s3] =	stream.indirect.scatter.add.f32 [tilespmem:s15], [sflag:$0x2], $0x40, s18, s14, $0xb8;
	[tilespmem:$0x10D00] =	vst v63  }
0x32: {  	_ =	swait.ge [sflag:s12], $0x2000  }
0x33: {  	s17 =	sadd.s32 $0x1, s17;
	[sflag:s12] =	ssyncset.done $0x0  }
0x34: {  	p0 =	sne.s32 s17, s10;
	[sflag:s12] =	ssyncadd.s32 $0xFFFFE000  }
.Ltmp1:
0x35: {  	[bflag:$0x0] =	sbarrier.arrive $0xFFFF;
	(pc) =	sbr.rel @p0 .LBB2_1-.Ltmp1, $4  }
0x36: {  	[hbm:s9], [sflag:s6] =	dma.local [spmem:s11], $0x13C0  }
0x37: {  	_ =	swait.ge [sflag:s12], $0x13C0  }
0x38: {  	[sflag:s12] =	ssyncset.done $0x0  }
0x39: {  	[sflag:s12] =	ssyncadd.s32 $0xFFFFEC40  }
0x3a: {  	_ =	sfence.sel $0x180000  }
0x3b: {  	[bflag:$0x0] =	sbarrier.arrive $0xFFFF  }
0x3c: {  	p0 =	sne.s32 s1, $0x0;
	_ =	strace $0x9000004A  }
0x3d: {  	s0 =	sadd.s32 @!p0 $0x100000, s0;
	[bflag:$0x2] =	sbarrier.arrive $0xFFFF  }
0x3e: {  	[sflag:s0] =	ssyncadd.tile.s32 @!p0 $0x1;
	_ =	shalt  }
.Lfunc_end2:
_tile_overlayer_lowered:
.L_overlay_start_2:
0x3f: {  	(tag) =	ssettag $0x2  }
0x40: {  	s0 =	rddreg [dreg:$0x0];
	s2 =	stileid.u32  }
0x41: {  	s1 =	rddreg [dreg:$0x1];
	p0 =	sne.s32 s2, $0x0  }
0x42: {  	s3 =	rddreg [dreg:$0x2];
	[bflag:$0x3] =	sbarrier.arrive $0xFFFF;
	s2 =	simm.s32 @!p0 $0x1C02  }
0x43: {  	[timem:s3], [sflag:s2] =	dma.local @!p0 [hbm:s0], s1  }
0x44: {  	s0 =	simm.s32 @!p0 $0x2  }
0x45: {  	_ =	swait.ge @!p0 [sflag:s0], s1  }
0x46: {  	s1 =	ssub.s32 @!p0 $0x0, s1;
	[sflag:s0] =	ssyncset.done @!p0 $0x0  }
0x47: {  	[sflag:s0] =	ssyncadd.s32 @!p0 s1  }
0x48: {  	[bflag:$0x3] =	sbarrier.arrive $0xFFFF  }
0x49: {  	_ =	shalt  }

// kernel: kernel.7.cloned.1.call-start
scs
__scs_entry_jumppad:
0x0: {  	(pc) =	sbr.rel $0x88, $3  }
0x1: {  	(tag) =	ssettag $0x0;
	lr =	simm.s32 $0x1  }
0x2: {  	[smem:$0x3F93] =	sst lr;
	_ =	strace $0xD0000000  }
0x3: {  	_ = 	snop  }
0x4: {  	_ = 	snop  }
0x5: {  	_ = 	snop  }
0x6: {  	_ = 	snop  }
0x7: {  	_ = 	snop  }
__scs_overlays_trampoline_lowered:
0x8: {  	[smem:$0x3FA2] =	sst s0  }
0x9: {  	[smem:$0x3FA3] =	sst s1  }
0xa: {  	[smem:$0x3FA4] =	sst s2  }
0xb: {  	[smem:$0x3FA5] =	sst s3  }
0xc: {  	[smem:$0x3FA6] =	sst s4  }
0xd: {  	[smem:$0x3FA7] =	sst s5  }
0xe: {  	[smem:$0x3FA8] =	sst s6  }
0xf: {  	[smem:$0x3FA9] =	sst s7  }
0x10: {  	[smem:$0x3FAA] =	sst s8  }
0x11: {  	[smem:$0x3FAB] =	sst s9;
	s0 =	simm.s32 @!p0 $0x0  }
0x12: {  	s1 =	sld [smem:$0x3F91];
	s0 =	simm.s32 @p0 $0x1  }
0x13: {  	[smem:$0x3FAC] =	sst s0;
	s0 =	simm.s32 @!p1 $0x0  }
0x14: {  	s2 =	sld [smem:$0x3F90];
	s0 =	simm.s32 @p1 $0x1  }
0x15: {  	[smem:$0x3FAD] =	sst s0;
	s0 =	simm.s32 @!p2 $0x0  }
0x16: {  	s3 =	sld [smem:$0x3FDB];
	s0 =	simm.s32 @p2 $0x1  }
0x17: {  	s4 =	simm.s32 $0x1BF5;
	[smem:$0x3FAF] =	sst s0  }
0x18: {  	s0 =	sld [smem:$0x3F92];
	_ =	swait.ge [sflag:s4], $0x0  }
0x19: {  	s7 =	sld [smem:$0x3F93]  }
0x1a: {  	s8 =	sadd.s32 $0xFFFFE003, lr  }
0x1b: {  	s9 =	sadd.s32 $0xFFFFFEF7, lr;
	s5 =	simm.s32 $0xFFFFFFFF;
	p2 =	slt.u32 s8, $0xFFFFF086  }
0x1c: {  	p1 =	slt.u32 s9, $0xF7A;
	s5 =	simm.s32 @!p2 $0x0  }
0x1d: {  	s5 =	simm.s32 @p1 $0x1;
	p0 =	seq.s32 s7, s2  }
0x1e: {  	s7 =	smul.u32 @!p0 $0xF7A, s2;
	p2 =	seq.s32 @!p0 s5, $0x0  }
0x1f: {  	s9 =	smul.u32 $0xF7A, s1;
	s8 =	simm.s32 @!p0 $0x1BF5;
	p2 =	por !p2, p0  }
0x20: {  	[sflag:s8] =	ssyncset.s32 @!p0 $0xFFFFF086;
	s6 =	sadd.s32 @!p0 s3, s7;
	s7 =	simm.s32 @!p0 $0x108  }
0x21: {  	s3 =	sadd.s32 s3, s9;
	s6 =	sadd.s32 @!p0 $0x88, s6;
	s7 =	simm.s32 @p2 $0x1082  }
0x22: {  	[simem:s7], [sflag:s8] =	dma.local @!p0 [hbm:s6], $0xF7A  }
0x23: {  	s9 =	sor.u32 $0xD0000000, s2;
	s6 =	simm.s32 $0x108;
	_ =	swait.ge @!p0 [sflag:s8], $0x0  }
0x24: {  	s3 =	sadd.s32 $0x88, s3;
	s6 =	simm.s32 @!p1 $0x1082;
	[sflag:s4] =	ssyncset.s32 $0xFFFFF086  }
0x25: {  	[simem:s6], [sflag:s4] =	dma.local [hbm:s3], $0xF7A  }
0x26: {  	[smem:$0x3F93] =	sst s1;
	(tag) =	ssettag s2;
	_ =	strace s9  }
0x27: {  	s1 =	sld [smem:$0x3FA3]  }
0x28: {  	s2 =	sld [smem:$0x3FA4]  }
0x29: {  	s4 =	sld [smem:$0x3FA6]  }
0x2a: {  	p0 =	seq.s32 s5, $0x0;
	s5 =	sld [smem:$0x3FA7]  }
0x2b: {  	s6 =	sld [smem:$0x3FA8]  }
0x2c: {  	s7 =	sld [smem:$0x3FA9]  }
0x2d: {  	s3 =	simm.s32 $0x108;
	s8 =	sld [smem:$0x3FAA]  }
0x2e: {  	s3 =	simm.s32 @!p0 $0x1082;
	s9 =	sld [smem:$0x3FAB]  }
0x2f: {  	lr =	sadd.s32 s0, s3;
	s0 =	sld [smem:$0x3FA2]  }
0x30: {  	s3 =	sld [smem:$0x3FA5]  }
0x31: {  	[smem:$0x3FAE] =	sst s10  }
0x32: {  	s10 =	sld [smem:$0x3FAC];
	_ =	sdelay $0x3  }
0x33: {  	p0 =	seq.s32 s10, $0x1;
	s10 =	sld [smem:$0x3FAE];
	_ =	sdelay $0x3  }
0x34: {  	[smem:$0x3FAE] =	sst s10  }
0x35: {  	s10 =	sld [smem:$0x3FAD];
	_ =	sdelay $0x3  }
0x36: {  	p1 =	seq.s32 s10, $0x1;
	s10 =	sld [smem:$0x3FAE];
	_ =	sdelay $0x3  }
0x37: {  	[smem:$0x3FAE] =	sst s10  }
0x38: {  	s10 =	sld [smem:$0x3FAF]  }
0x39: {  	_ = 	snop;
	(pc) =	sbr.ind lr, $3  }
0x3a: {  	_ = 	snop  }
0x3b: {  	_ = 	snop  }
0x3c: {  	p2 =	seq.s32 s10, $0x1;
	s10 =	sld [smem:$0x3FAE]  }
0x3d: {  	_ =	shalt  }
0x3e: {  	_ =	shalt  }
0x3f: {  	_ =	shalt  }
0x40: {  	_ =	shalt  }
0x41: {  	_ =	shalt  }
0x42: {  	_ =	shalt  }
0x43: {  	_ =	shalt  }
0x44: {  	_ =	shalt  }
0x45: {  	_ =	shalt  }
0x46: {  	_ =	shalt  }
0x47: {  	_ =	shalt  }
0x48: {  	_ =	shalt  }
0x49: {  	_ =	shalt  }
0x4a: {  	_ =	shalt  }
0x4b: {  	_ =	shalt  }
0x4c: {  	_ =	shalt  }
0x4d: {  	_ =	shalt  }
0x4e: {  	_ =	shalt  }
0x4f: {  	_ =	shalt  }
0x50: {  	_ =	shalt  }
0x51: {  	_ =	shalt  }
0x52: {  	_ =	shalt  }
0x53: {  	_ =	shalt  }
0x54: {  	_ =	shalt  }
0x55: {  	_ =	shalt  }
0x56: {  	_ =	shalt  }
0x57: {  	_ =	shalt  }
0x58: {  	_ =	shalt  }
0x59: {  	_ =	shalt  }
0x5a: {  	_ =	shalt  }
0x5b: {  	_ =	shalt  }
0x5c: {  	_ =	shalt  }
0x5d: {  	_ =	shalt  }
0x5e: {  	_ =	shalt  }
0x5f: {  	_ =	shalt  }
0x60: {  	_ =	shalt  }
0x61: {  	_ =	shalt  }
0x62: {  	_ =	shalt  }
0x63: {  	_ =	shalt  }
0x64: {  	_ =	shalt  }
0x65: {  	_ =	shalt  }
0x66: {  	_ =	shalt  }
0x67: {  	_ =	shalt  }
0x68: {  	_ =	shalt  }
0x69: {  	_ =	shalt  }
0x6a: {  	_ =	shalt  }
0x6b: {  	_ =	shalt  }
0x6c: {  	_ =	shalt  }
0x6d: {  	_ =	shalt  }
0x6e: {  	_ =	shalt  }
0x6f: {  	_ =	shalt  }
0x70: {  	_ =	shalt  }
0x71: {  	_ =	shalt  }
0x72: {  	_ =	shalt  }
0x73: {  	_ =	shalt  }
0x74: {  	_ =	shalt  }
0x75: {  	_ =	shalt  }
0x76: {  	_ =	shalt  }
0x77: {  	_ =	shalt  }
0x78: {  	_ =	shalt  }
0x79: {  	_ =	shalt  }
0x7a: {  	_ =	shalt  }
0x7b: {  	_ =	shalt  }
0x7c: {  	_ =	shalt  }
0x7d: {  	_ =	shalt  }
0x7e: {  	_ =	shalt  }
0x7f: {  	_ =	shalt  }
0x80: {  	_ =	shalt  }
0x81: {  	_ =	shalt  }
0x82: {  	_ =	shalt  }
0x83: {  	_ =	shalt  }
0x84: {  	_ =	shalt  }
0x85: {  	_ =	shalt  }
0x86: {  	_ =	shalt  }
0x87: {  	_ =	shalt  }
.Lfunc_end0:
.L_simem_size_0:
called_computation_lowered:
.L_overlay_start_0:
0x88: {  	s2 =	sld [smem:$0x3FD9]  }
0x89: {  	s3 =	sld [smem:$0x3FFE];
	_ =	sdelay $0x1  }
0x8a: {  	s1 =	srdreg.scid  }
0x8b: {  	s0 =	sand.u32 $0x1, s1  }
0x8c: {  	s14 =	sshll.u32 s0, $0xA;
	s2 =	sadd.s32 s3, s2  }
0x8d: {  	s2 =	sadd.s32 s2, s14  }
0x8e: {  	[smem:$0x3FBA] =	sst s2  }
0x8f: {  	_ = 	snop  }
0x90: {  	s2 =	sld [smem:$0x3FD0];
	_ =	sdelay $0x2  }
0x91: {  	s15 =	simm.s32 $0xA;
	s4 =	simm.s32 $0x10  }
0x92: {  	[smem:s4], [sflag:s15] =	dma.local [hbm:s2], $0x1  }
0x93: {  	_ =	swait.eq [sflag:s15], $0x1  }
0x94: {  	[sflag:s15] =	ssyncset.done $0x0  }
0x95: {  	[sflag:s15] =	ssyncadd.s32 $0xFFFFFFFF  }
0x96: {  	s16 =	sld [smem:$0x10];
	(tm) =	ssettm $0x1  }
0x97: {  	s17 =	sld [smem:$0x3FFB];
	_ =	sdelay $0x3  }
0x98: {  	_ =	strace s17  }
0x99: {  	s3 =	sld [smem:$0x3FFC];
	_ =	sdelay $0x3  }
0x9a: {  	_ =	strace s3  }
0x9b: {  	s3 =	sld [smem:$0x3FFD];
	_ =	sdelay $0x3  }
0x9c: {  	_ =	strace s3  }
0x9d: {  	_ =	strace $0x8FFFFFFF  }
0x9e: {  	s18 =	sld [smem:$0x3FDB];
	_ =	sdelay $0x1  }
0x9f: {  	s19 =	simm.s32 $_scs_section_size  }
0xa0: {  	s5 =	simm.s32 $_size__tile_overlayer_lowered;
	s6 =	simm.s32 $_tile_overlayer_lowered  }
0xa1: {  	s22 =	simm.s32 $0x1BFF;
	s21 =	sshll.u32 s6, $0x1;
	s3 =	sadd.s32 s19, s18  }
0xa2: {  	s7 =	simm.s32 $0x0;
	s20 =	sshll.u32 s5, $0x1;
	s5 =	sadd.s32 s21, s3  }
0xa3: {  	[timem:s7], [sflag:s22] =	dma.local [hbm:s5], s20  }
0xa4: {  	_ =	swait.ge [sflag:s22], s20  }
0xa5: {  	s4 =	ssub.s32 $0x0, s20;
	[sflag:s22] =	ssyncset.done $0x0  }
0xa6: {  	[sflag:s22] =	ssyncadd.s32 s4;
	_ =	sdelay $0x1  }
0xa7: {  	s23 =	simm.s32 $0x1B8B  }
0xa8: {  	_ =	swait.ge [sflag:s23], $0x1  }
0xa9: {  	[sflag:s23] =	ssyncset.done $0x0  }
0xaa: {  	s25 =	simm.s32 $0x1B8E;
	s24 =	sld [smem:$0x3FFE];
	[sflag:s23] =	ssyncadd.s32 $0xFFFFFFFF  }
0xab: {  	s26 =	simm.s32 $execute0_lowered;
	[smem:$0x3FD2] =	sst s25  }
0xac: {  	s5 =	sshll.u32 s26, $0x1;
	_ =	strace $0x80000046;
	[dreg:$0x1] =	wrdreg $0xFFFFFFFF  }
0xad: {  	s28 =	simm.s32 $_size_execute0_lowered;
	s3 =	sadd.s32 s3, s5;
	[dreg:$0x0] =	wrdreg $0x0  }
0xae: {  	s5 =	sshll.u32 s28, $0x1;
	[dreg:$0x2] =	wrdreg s3  }
0xaf: {  	[dreg:$0x3] =	wrdreg s5  }
0xb0: {  	[dreg:$0x4] =	wrdreg $0xC0  }
0xb1: {  	_ =	task [dreg:s7], $0x5FFFF  }
0xb2: {  	[dreg:$0x1] =	wrdreg $0xFFFFFFFF  }
0xb3: {  	[dreg:$0x0] =	wrdreg $0x60  }
0xb4: {  	[dreg:$0x2] =	wrdreg s24  }
0xb5: {  	[dreg:$0x3] =	wrdreg s16  }
0xb6: {  	[dreg:$0x4] =	wrdreg $0x5F000  }
0xb7: {  	[dreg:$0x5] =	wrdreg $0x9  }
0xb8: {  	_ =	task.clear_ibuf [dreg:s7], $0x6FFFF;
	_ =	strace $0x90000046  }
0xb9: {  	s29 =	simm.s32 $0x9;
	_ =	strace $0x80000048  }
0xba: {  	_ =	swait.ge [sflag:s29], $0x1  }
0xbb: {  	[sflag:s29] =	ssyncadd.s32 $0xFFFFFFFF  }
0xbc: {  	_ =	strace $0x90000048  }
0xbd: {  	_ =	sfence  }
0xbe: {  	s30 =	sld [smem:$0x0];
	_ =	sdelay $0x2  }
0xbf: {  	s31 =	sshll.u32 s1, $0xD;
	s1 =	sshrl.u32 s1, $0x2  }
0xc0: {  	s3 =	sand.u32 $0x4000, s31;
	s1 =	sadd.s32 s1, s30  }
0xc1: {  	s0 =	sor.u32 s3, s0;
	s1 =	sshll.u32 s1, $0x11  }
0xc2: {  	s0 =	sor.u32 s1, s0  }
0xc3: {  	s0 =	sadd.s32 $0x8F2B, s0  }
0xc4: {  	[sflag:s0] =	ssyncadd.remote.s32 $0x1  }
0xc5: {  	_ =	sfence.sel $0xFFFF  }
0xc6: {  	[dreg:$0x0] =	wrdreg $0xFFFFFFFF;
	(pc) =	sbr.abs _section_cstart, $3  }
0xc7: {  	[dreg:$0x1] =	wrdreg $0xFFFFFFFF  }
0xc8: {  	_ =	task.clear_ibuf [dreg:s7], $0x2FFFF;
	_ =	strace $0x9FFFFFFF  }
0xc9: {  	(tm) =	ssettm $0x7FFFFFFF  }
tec
execute0_lowered:
.L_overlay_start_1:
0x0: {  	(tag) =	ssettag $0x1  }
0x1: {  	s5 =	rddreg [dreg:$0x0]  }
0x2: {  	s9 =	rddreg [dreg:$0x1]  }
0x3: {  	s1 =	rddreg [dreg:$0x2];
	s2 =	srdreg.scid  }
0x4: {  	s0 =	rddreg [dreg:$0x3];
	s3 =	simm.s32 $0x0;
	s15 =	simm.s32 $0x4F00  }
0x5: {  	s16 =	simm.s32 $0x1;
	s17 =	simm.s32 $0x0;
	s6 =	sand.u32 $0x1, s2  }
0x6: {  	s2 =	stileid.u32;
	[smem:$0x7FF] =	sst s3;
	s4 =	sshll.u32 s6, $0x4  }
0x7: {  	_ =	strace $0x80000047;
	s8 =	ssub.s32 $0x2, s6;
	s10 =	smul.u32 $0x4F00, s2  }
0x8: {  	s12 =	smul.u32 $0x4F000, s6;
	s31 =	sshll.u32 s2, $0x6;
	s4 =	sor.u32 s2, s4  }
0x9: {  	s30 =	sshrl.u32 s8, $0x1;
	s6 =	sor.u32 $0x1C02, s31;
	s7 =	smul.u32 $0x4F0, s4  }
0xa: {  	s4 =	sadd.s32 $0x1800, s5;
	s14 =	sadd.s32 s10, s1;
	s10 =	sadd.s32 s10, s12  }
0xb: {  	s13 =	ssub.s32 s8, s30;
	s12 =	simm.s32 $0x2;
	s10 =	sshrl.u32 s10, $0x3  }
0xc: {  	s11 =	sadd.s32 s7, s5;
	s5 =	sadd.s32 $0x1F200, s5;
	s9 =	sadd.s32 s9, s10  }
0xd: {  	s10 =	smax.u32 s13, $0x1;
	s13 =	simm.s32 $0x2780;
	s7 =	sadd.s32 $0x15400, s11  }
0xe: {  	s8 =	sadd.s32 $0xB600, s11;
	s11 =	sshrl.u32 s14, $0x3;
	s14 =	simm.s32 $0x80  }
.LBB2_1:
0xf: {  	[spmem:s11], [sflag:s6] =	dma.local [hbm:s5], $0x9E0  }
0x10: {  	_ =	swait.ge [sflag:s12], $0x9E0  }
0x11: {  	[sflag:s12] =	ssyncset.done $0x0  }
0x12: {  	[sflag:s12] =	ssyncadd.s32 $0xFFFFF620  }
0x13: {  	[tilespmem:s3], [sflag:$0x2] =	stream.linear.gather [hbm4b:s7+s3], $0x2780, $0x38;
	[tilespmem:$0xAE00] =	vst v63  }
0x14: {  	_ =	swait.ge [sflag:s12], $0x2780  }
0x15: {  	[sflag:s12] =	ssyncset.done $0x0  }
0x16: {  	[sflag:s12] =	ssyncadd.s32 $0xFFFFD880  }
0x17: {  	[tilespmem:s13], [sflag:$0x2] =	stream.linear.gather [hbm4b:s8+s3], $0x2780, $0x38;
	[tilespmem:$0xAE00] =	vst v63  }
0x18: {  	_ =	swait.ge [sflag:s12], $0x2780  }
0x19: {  	[sflag:s12] =	ssyncset.done $0x0  }
0x1a: {  	[sflag:s12] =	ssyncadd.s32 $0xFFFFD880  }
0x1b: {  	s18 =	simm.s32 $0x0;
	[bflag:$0x0] =	sbarrier.arrive $0xFFFF  }
0x1c: {  	[tilespmem:s15], [sflag:$0x1] =	stream.indirect.gather [hbm4b:s4+s14], $0x20, s18, s14, $0xb8;
	[tilespmem:$0xAE00] =	vst v63  }
0x1d: {  	_ =	swait.ge [sflag:s16], $0x1000  }
0x1e: {  	[sflag:s16] =	ssyncset.done $0x0  }
0x1f: {  	s31 =	simm.s32 $0x2780;
	[sflag:s16] =	ssyncadd.s32 $0xFFFFF000  }
0x20: {  	[spmem:s1] =	stream.indirect.scatter.add.f32 [tilespmem:s15], [sflag:$0x2], $0x20, s31, s14, $0xb8;
	[tilespmem:$0xAE00] =	vst v63  }
0x21: {  	_ =	swait.ge [sflag:s12], $0x1000  }
0x22: {  	s19 =	simm.s32 $0x400;
	s18 =	simm.s32 $0x200;
	[sflag:s12] =	ssyncset.done $0x0  }
.LBB2_2:
0x23: {  	s20 =	sshra.s32 s18, $0x2  }
0x24: {  	[sflag:s12] =	ssyncadd.s32 $0xFFFFF000;
	s18 =	smov.u32 s19;
	s21 =	sadd.s32 $0x200, s19  }
0x25: {  	[tilespmem:s15], [sflag:$0x1] =	stream.indirect.gather [hbm4b:s4+s14], $0x20, s20, s14, $0xb8;
	[tilespmem:$0xAE00] =	vst v63  }
0x26: {  	p0 =	sne.s32 s19, $0x9C00;
	_ =	swait.ge [sflag:s16], $0x1000  }
.Ltmp0:
0x27: {  	[sflag:s16] =	ssyncset.done $0x0;
	(pc) =	sbr.rel @p0 .LBB2_2-.Ltmp0, $4  }
0x28: {  	s19 =	sadd.s32 $0x2780, s20;
	[sflag:s16] =	ssyncadd.s32 $0xFFFFF000  }
0x29: {  	[spmem:s1] =	stream.indirect.scatter.add.f32 [tilespmem:s15], [sflag:$0x2], $0x20, s19, s14, $0xb8;
	[tilespmem:$0xAE00] =	vst v63  }
0x2a: {  	_ =	swait.ge [sflag:s12], $0x1000  }
0x2b: {  	s19 =	smov.u32 s21;
	[sflag:s12] =	ssyncset.done $0x0  }
0x2c: {  	s18 =	sshra.s32 s18, $0x2;
	[sflag:s12] =	ssyncadd.s32 $0xFFFFF000  }
0x2d: {  	[tilespmem:s15], [sflag:$0x1] =	stream.indirect.gather [hbm4b:s4+s14], $0x20, s18, s14, $0xb8;
	[tilespmem:$0xAE00] =	vst v63  }
0x2e: {  	_ =	swait.ge [sflag:s16], $0x1000  }
0x2f: {  	[sflag:s16] =	ssyncset.done $0x0  }
0x30: {  	s18 =	sadd.s32 $0x2780, s18;
	[sflag:s16] =	ssyncadd.s32 $0xFFFFF000  }
0x31: {  	[spmem:s1] =	stream.indirect.scatter.add.f32 [tilespmem:s15], [sflag:$0x2], $0x20, s18, s14, $0xb8;
	[tilespmem:$0xAE00] =	vst v63  }
0x32: {  	_ =	swait.ge [sflag:s12], $0x1000  }
0x33: {  	s17 =	sadd.s32 $0x1, s17;
	[sflag:s12] =	ssyncset.done $0x0  }
0x34: {  	p0 =	sne.s32 s17, s10;
	[sflag:s12] =	ssyncadd.s32 $0xFFFFF000  }
.Ltmp1:
0x35: {  	[bflag:$0x0] =	sbarrier.arrive $0xFFFF;
	(pc) =	sbr.rel @p0 .LBB2_1-.Ltmp1, $4  }
0x36: {  	[hbm:s9], [sflag:s6] =	dma.local [spmem:s11], $0x9E0  }
0x37: {  	_ =	swait.ge [sflag:s12], $0x9E0  }
0x38: {  	[sflag:s12] =	ssyncset.done $0x0  }
0x39: {  	[sflag:s12] =	ssyncadd.s32 $0xFFFFF620  }
0x3a: {  	_ =	sfence.sel $0x180000  }
0x3b: {  	[bflag:$0x0] =	sbarrier.arrive $0xFFFF  }
0x3c: {  	p0 =	sne.s32 s2, $0x0;
	_ =	strace $0x90000047  }
0x3d: {  	s0 =	sadd.s32 @!p0 $0x100000, s0;
	[bflag:$0x2] =	sbarrier.arrive $0xFFFF  }
0x3e: {  	[sflag:s0] =	ssyncadd.tile.s32 @!p0 $0x1;
	_ =	shalt  }
.Lfunc_end2:
_tile_overlayer_lowered:
.L_overlay_start_2:
0x3f: {  	(tag) =	ssettag $0x2  }
0x40: {  	s0 =	rddreg [dreg:$0x0];
	s2 =	stileid.u32  }
0x41: {  	s1 =	rddreg [dreg:$0x1];
	p0 =	sne.s32 s2, $0x0  }
0x42: {  	s3 =	rddreg [dreg:$0x2];
	[bflag:$0x3] =	sbarrier.arrive $0xFFFF;
	s2 =	simm.s32 @!p0 $0x1C02  }
0x43: {  	[timem:s3], [sflag:s2] =	dma.local @!p0 [hbm:s0], s1  }
0x44: {  	s0 =	simm.s32 @!p0 $0x2  }
0x45: {  	_ =	swait.ge @!p0 [sflag:s0], s1  }
0x46: {  	s1 =	ssub.s32 @!p0 $0x0, s1;
	[sflag:s0] =	ssyncset.done @!p0 $0x0  }
0x47: {  	[sflag:s0] =	ssyncadd.s32 @!p0 s1  }
0x48: {  	[bflag:$0x3] =	sbarrier.arrive $0xFFFF  }
0x49: {  	_ =	shalt  }

</sc_bundles>
